<compile_context>
chip_gen: v7x
topology: tpu7x:2x2x1
jax: 0.10.2.dev20260603
libtpu: 0.0.44.dev20260713+nightly
codegen_flags: <defaults>
</compile_context>

<pallas_src>
import jax
import jax.numpy as jnp
from jax import lax
from jax.experimental import pallas as pl
from jax.experimental.pallas import tpu as pltpu
from jax.experimental.pallas import tpu_sc as plsc

_SEQ = 2048
_H = 16
_NC = 2
_NS = 16
_NW = _NC * _NS
_NCLS = 128
_CPW = _NCLS // _NW
_KROWS = _SEQ // _NCLS
_WROWS = 3968
_SROWS = _WROWS + _CPW - 1
_NCH = _WROWS // 128
_LAG = 10


def _rpe_body(table_hbm, out_hbm, staged_v, trev_v, sem):
    cid = lax.axis_index("c")
    sid = lax.axis_index("s")
    wid = sid * _NC + cid
    c0 = wid * _CPW

    pltpu.sync_copy(table_hbm.at[pl.ds(_SEQ + c0, _SROWS)], staged_v)

    lanes = lax.iota(jnp.int32, 16)

    def _do_class(c_off, carry0):
        c = c0 + c_off

        def _fire(k):
            return pltpu.async_copy(
                trev_v.at[:, pl.ds(_KROWS - 1 - k, 16), :, :],
                out_hbm.at[c + _NCLS * k],
                sem,
            )

        def _drain_one():
            pltpu.make_async_copy(
                trev_v.at[:, pl.ds(0, 16), :, :], out_hbm.at[c], sem
            ).wait()

        def _mstep(m, carry):
            @pl.when((c_off > 0) & (m >= _KROWS - _LAG) & (m <= _KROWS - 1))
            def _():
                _drain_one()

            m_v = m + (lanes & 0)

            def _gstep(gg, carry2):
                for gu in range(4):
                    g = gg * 4 + gu
                    hvec = (g + lanes) & 15
                    hh_v = hvec >> 3
                    hl_v = hvec & 7
                    for off in range(0, 128, 16):
                        rows = (c_off + _WROWS - 1 - m * 128 - off) - lanes
                        vec = plsc.load_gather(staged_v, [rows, hvec])
                        plsc.store_scatter(
                            trev_v, [hh_v, m_v, hl_v, off + lanes], vec
                        )
                return carry2

            lax.fori_loop(0, 4, _gstep, 0)

            @pl.when(m >= _KROWS - 1)
            def _():
                _fire((_NCH - 1) - m)

            @pl.when(m >= _KROWS - 1 + _LAG)
            def _():
                _drain_one()

            return carry

        lax.fori_loop(0, _NCH, _mstep, 0)
        return carry0

    lax.fori_loop(0, _CPW, _do_class, 0)
    for _ in range(_LAG):
        pltpu.make_async_copy(
            trev_v.at[:, pl.ds(0, 16), :, :], out_hbm.at[0], sem
        ).wait()


@jax.jit
def _rpe(table):
    mesh = plsc.VectorSubcoreMesh(core_axis_name="c", subcore_axis_name="s")
    fn = pl.kernel(
        _rpe_body,
        out_type=jax.ShapeDtypeStruct((_SEQ, 2, 16, 8, 128), jnp.float32),
        mesh=mesh,
        scratch_types=[
            pltpu.VMEM((_SROWS, _H), jnp.float32),
            pltpu.VMEM((2, _NCH, 8, 128), jnp.float32),
            pltpu.SemaphoreType.DMA,
        ],
        compiler_params=pltpu.CompilerParams(
            use_tc_tiling_on_sc=False, needs_layout_passes=False
        ),
    )
    out5 = fn(table)
    return out5.transpose(0, 2, 4, 1, 3).reshape(_SEQ, _SEQ, _H)


def kernel(seq_len, relative_position_bias_table):
    del seq_len
    return _rpe(relative_position_bias_table)

# --- scband reference (transcript-rebuilt; emitter-appended) ---
"""Pipeline reference for scband-relative-positional-encoding-76845554860238 (READ-ONLY COPY).

The authoritative reference and input builder live on the scoring server;
editing this copy changes nothing except your own understanding.
"""

import jax, jax.numpy as jnp
import numpy as np

MAX_SEQ_LEN = 4096
NUM_HEADS = 16
SEQ_LEN = 2048

def setup_inputs(seed: int = 0) -> dict:
    key = jax.random.key(seed)
    # relative_position_bias_table: trunc_normal(std=0.02), shape (2*max_seq_len-1, num_heads)
    table = jax.random.truncated_normal(key, -2.0, 2.0, (2 * MAX_SEQ_LEN - 1, NUM_HEADS), dtype=jnp.float32) * 0.02
    return {"seq_len": SEQ_LEN, "relative_position_bias_table": table}

def reference(seq_len, relative_position_bias_table):
    seq_len = jnp.asarray(seq_len, dtype=jnp.int32)
    coords = jnp.arange(SEQ_LEN, dtype=jnp.int32) + (seq_len - seq_len)
    relative_coords = coords[:, None] - coords[None, :]
    relative_coords = relative_coords + (MAX_SEQ_LEN - 1)
    relative_coords = jnp.clip(relative_coords, 0, 2 * MAX_SEQ_LEN - 2)
    # gather: (seq_len, seq_len, num_heads)
    relative_position_bias = jnp.take(relative_position_bias_table, relative_coords, axis=0)
    return relative_position_bias

if __name__ == "__main__":
    import jax
    _d = setup_inputs()
    print(jax.jit(kernel)(*tuple(_d.values())))

</pallas_src>

<mosaic_0001>
#map = affine_map<(d0, d1) -> (0, 0)>
#map1 = affine_map<(d0, d1) -> (0, 0, 0, 0, 0)>
module attributes {stable_mosaic.version = 14 : i64} {
  func.func @_rpe_body(%arg0: i32, %arg1: i32, %arg2: memref<8191x16xf32, #tpu.memory_space<hbm>>, %arg3: memref<2048x2x16x8x128xf32, #tpu.memory_space<hbm>>, %arg4: memref<3971x16xf32, #tpu.memory_space<vmem>>, %arg5: memref<2x31x8x128xf32, #tpu.memory_space<vmem>>, %arg6: memref<!tpu.dma_semaphore, #tpu.memory_space<semaphore_mem>>) attributes {dimension_semantics = [#tpu.dimension_semantics<core_parallel>, #tpu.dimension_semantics<subcore_parallel>], iteration_bounds = array<i64: 2, 16>, scalar_prefetch = 0 : i64, scratch_operands = 3 : i64, tpu.core_type = #tpu.core_type<sc_vector_subcore>, window_params = [{transform_indices = #map}, {transform_indices = #map1}]} {
    %mul3A = arith.constant 2 : i32
    %mul3A_0 = arith.muli %arg1, %mul3A : i32
    %add3A = arith.addi %mul3A_0, %arg0 : i32
    %mul3A_1 = arith.constant 4 : i32
    %mul3A_2 = arith.muli %add3A, %mul3A_1 : i32
    %add3A_3 = arith.constant 2048 : i32
    %add3A_4 = arith.addi %add3A_3, %mul3A_2 : i32
    "tpu.region"() ({
      %run_scoped3A = tpu.sem_alloc : memref<!tpu.dma_semaphore, #tpu.memory_space<semaphore_mem>>
      %dma_start3A = arith.constant 0 : i32
      %dma_start3A_239 = tpu.memref_slice %arg2[%add3A_4, %dma_start3A] : memref<8191x16xf32, #tpu.memory_space<hbm>> -> memref<3971x16xf32, #tpu.memory_space<hbm>>
      %dma_start3A_240 = arith.constant 0 : i32
      %dma_start3A_241 = tpu.memref_slice %arg2[%add3A_4, %dma_start3A_240] : memref<8191x16xf32, #tpu.memory_space<hbm>> -> memref<3971x16xf32, #tpu.memory_space<hbm>>
      tpu.enqueue_dma source(%dma_start3A_241 : memref<3971x16xf32, #tpu.memory_space<hbm>>) target(%arg4 : memref<3971x16xf32, #tpu.memory_space<vmem>>) target_semaphore(%run_scoped3A : memref<!tpu.dma_semaphore, #tpu.memory_space<semaphore_mem>>)
      %dma_wait3A_242 = arith.constant 0 : i32
      %dma_wait3A_243 = tpu.memref_slice %arg2[%add3A_4, %dma_wait3A_242] : memref<8191x16xf32, #tpu.memory_space<hbm>> -> memref<3971x16xf32, #tpu.memory_space<hbm>>
      %dma_wait3A_244 = arith.constant 0 : i32
      %dma_wait3A_245 = tpu.memref_slice %arg2[%add3A_4, %dma_wait3A_244] : memref<8191x16xf32, #tpu.memory_space<hbm>> -> memref<3971x16xf32, #tpu.memory_space<hbm>>
      tpu.wait_dma2 semaphore(%run_scoped3A : memref<!tpu.dma_semaphore, #tpu.memory_space<semaphore_mem>>) src(%dma_wait3A_245 : memref<3971x16xf32, #tpu.memory_space<hbm>>) dst(%arg4 : memref<3971x16xf32, #tpu.memory_space<vmem>>)
      tpu.yield
    }) : () -> ()
    %iota3A = tpu.iota {dimensions = array<i32: 0>} : vector<16xi32>
    %scan3A = arith.constant 0 : i32
    %scan3A_5 = arith.constant 0 : i32
    %scan3A_6 = arith.constant 4 : i32
    %scan3A_7 = arith.addi %scan3A_5, %scan3A_6 : i32
    %scan3A_8 = arith.constant 1 : i32
    scf.for %scan3A_239 = %scan3A_5 to %scan3A_7 step %scan3A_8  : i32 {
      %add3A_240 = arith.addi %mul3A_2, %scan3A_239 : i32
      %scan3A_241 = arith.constant 0 : i32
      %scan3A_242 = arith.constant 0 : i32
      %scan3A_243 = arith.constant 31 : i32
      %scan3A_244 = arith.addi %scan3A_242, %scan3A_243 : i32
      %scan3A_245 = arith.constant 1 : i32
      scf.for %scan3A_247 = %scan3A_242 to %scan3A_244 step %scan3A_245  : i32 {
        %gt3A = arith.constant 0 : i32
        %gt3A_248 = arith.cmpi sgt, %scan3A_239, %gt3A : i32
        %ge3A = arith.constant 6 : i32
        %ge3A_249 = arith.cmpi sge, %scan3A_247, %ge3A : i32
        %and3A = arith.andi %gt3A_248, %ge3A_249 : i1
        %le3A = arith.constant 15 : i32
        %le3A_250 = arith.cmpi sle, %scan3A_247, %le3A : i32
        %and3A_251 = arith.andi %and3A, %le3A_250 : i1
        %convert_element_type3A = arith.extui %and3A_251 : i1 to i32
        %cond3A = arith.constant 0 : i32
        %cond3A_252 = arith.cmpi ne, %convert_element_type3A, %cond3A : i32
        scf.if %cond3A_252 {
          %dma_wait3A_274 = arith.constant 0 : i32
          %dma_wait3A_275 = arith.constant 0 : i32
          %dma_wait3A_276 = arith.constant 0 : i32
          %dma_wait3A_277 = arith.constant 0 : i32
          %dma_wait3A_278 = tpu.memref_slice %arg5[%dma_wait3A_274, %dma_wait3A_275, %dma_wait3A_276, %dma_wait3A_277] : memref<2x31x8x128xf32, #tpu.memory_space<vmem>> -> memref<2x16x8x128xf32, #tpu.memory_space<vmem>>
          %dma_wait3A_279 = arith.constant 0 : i32
          %dma_wait3A_280 = arith.constant 0 : i32
          %dma_wait3A_281 = arith.constant 0 : i32
          %dma_wait3A_282 = arith.constant 0 : i32
          %dma_wait3A_283 = tpu.memref_slice %arg3[%add3A_240, %dma_wait3A_279, %dma_wait3A_280, %dma_wait3A_281, %dma_wait3A_282] : memref<2048x2x16x8x128xf32, #tpu.memory_space<hbm>> -> memref<1x2x16x8x128xf32, #tpu.memory_space<hbm>>
          %dma_wait3A_284 = tpu.memref_squeeze %dma_wait3A_283 : memref<1x2x16x8x128xf32, #tpu.memory_space<hbm>> -> memref<2x16x8x128xf32, #tpu.memory_space<hbm>>
          %dma_wait3A_285 = arith.constant 0 : i32
          %dma_wait3A_286 = arith.constant 0 : i32
          %dma_wait3A_287 = arith.constant 0 : i32
          %dma_wait3A_288 = arith.constant 0 : i32
          %dma_wait3A_289 = tpu.memref_slice %arg3[%add3A_240, %dma_wait3A_285, %dma_wait3A_286, %dma_wait3A_287, %dma_wait3A_288] : memref<2048x2x16x8x128xf32, #tpu.memory_space<hbm>> -> memref<1x2x16x8x128xf32, #tpu.memory_space<hbm>>
          %dma_wait3A_290 = tpu.memref_squeeze %dma_wait3A_289 : memref<1x2x16x8x128xf32, #tpu.memory_space<hbm>> -> memref<2x16x8x128xf32, #tpu.memory_space<hbm>>
          %dma_wait3A_291 = arith.constant 0 : i32
          %dma_wait3A_292 = arith.constant 0 : i32
          %dma_wait3A_293 = arith.constant 0 : i32
          %dma_wait3A_294 = arith.constant 0 : i32
          %dma_wait3A_295 = tpu.memref_slice %arg5[%dma_wait3A_291, %dma_wait3A_292, %dma_wait3A_293, %dma_wait3A_294] : memref<2x31x8x128xf32, #tpu.memory_space<vmem>> -> memref<2x16x8x128xf32, #tpu.memory_space<vmem>>
          tpu.wait_dma2 semaphore(%arg6 : memref<!tpu.dma_semaphore, #tpu.memory_space<semaphore_mem>>) src(%dma_wait3A_295 : memref<2x16x8x128xf32, #tpu.memory_space<vmem>>) dst(%dma_wait3A_290 : memref<2x16x8x128xf32, #tpu.memory_space<hbm>>)
        } else {
        }
        %and3A_253 = arith.constant 0 : i32
        %and3A_254 = vector.broadcast %and3A_253 : i32 to vector<16xi32>
        %and3A_255 = arith.andi %iota3A, %and3A_254 : vector<16xi32>
        %add3A_256 = vector.broadcast %scan3A_247 : i32 to vector<16xi32>
        %add3A_257 = arith.addi %add3A_256, %and3A_255 : vector<16xi32>
        %scan3A_258 = arith.constant 0 : i32
        %scan3A_259 = arith.constant 0 : i32
        %scan3A_260 = arith.constant 4 : i32
        %scan3A_261 = arith.addi %scan3A_259, %scan3A_260 : i32
        %scan3A_262 = arith.constant 1 : i32
        scf.for %scan3A_274 = %scan3A_259 to %scan3A_261 step %scan3A_262  : i32 {
          %mul3A_275 = arith.constant 4 : i32
          %mul3A_276 = arith.muli %scan3A_274, %mul3A_275 : i32
          %add3A_277 = arith.constant 0 : i32
          %add3A_278 = arith.addi %mul3A_276, %add3A_277 : i32
          %add3A_279 = vector.broadcast %add3A_278 : i32 to vector<16xi32>
          %add3A_280 = arith.addi %add3A_279, %iota3A : vector<16xi32>
          %and3A_281 = arith.constant 15 : i32
          %and3A_282 = vector.broadcast %and3A_281 : i32 to vector<16xi32>
          %and3A_283 = arith.andi %add3A_280, %and3A_282 : vector<16xi32>
          %shift_right_arithmetic3A = arith.constant 3 : i32
          %shift_right_arithmetic3A_284 = vector.broadcast %shift_right_arithmetic3A : i32 to vector<16xi32>
          %shift_right_arithmetic3A_285 = arith.shrsi %and3A_283, %shift_right_arithmetic3A_284 : vector<16xi32>
          %and3A_286 = arith.constant 7 : i32
          %and3A_287 = vector.broadcast %and3A_286 : i32 to vector<16xi32>
          %and3A_288 = arith.andi %and3A_283, %and3A_287 : vector<16xi32>
          %add3A_289 = arith.constant 3968 : i32
          %add3A_290 = arith.addi %scan3A_239, %add3A_289 : i32
          %sub3A = arith.constant 1 : i32
          %sub3A_291 = arith.subi %add3A_290, %sub3A : i32
          %mul3A_292 = arith.constant 128 : i32
          %mul3A_293 = arith.muli %scan3A_247, %mul3A_292 : i32
          %sub3A_294 = arith.subi %sub3A_291, %mul3A_293 : i32
          %sub3A_295 = arith.constant 0 : i32
          %sub3A_296 = arith.subi %sub3A_294, %sub3A_295 : i32
          %sub3A_297 = vector.broadcast %sub3A_296 : i32 to vector<16xi32>
          %sub3A_298 = arith.subi %sub3A_297, %iota3A : vector<16xi32>
          %gather3A = tpu.vector_load_idx %arg4[%sub3A_298, %and3A_283] : memref<3971x16xf32, #tpu.memory_space<vmem>>[vector<16xi32>, vector<16xi32>], vector<16xf32>,
          %add3A_299 = arith.constant 0 : i32
          %add3A_300 = vector.broadcast %add3A_299 : i32 to vector<16xi32>
          %add3A_301 = arith.addi %add3A_300, %iota3A : vector<16xi32>
          tpu.vector_store_idx %arg5[%shift_right_arithmetic3A_285, %add3A_257, %and3A_288, %add3A_301], %gather3A : memref<2x31x8x128xf32, #tpu.memory_space<vmem>>[vector<16xi32>, vector<16xi32>, vector<16xi32>, vector<16xi32>], vector<16xf32>,
          %add3A_302 = arith.constant 3968 : i32
          %add3A_303 = arith.addi %scan3A_239, %add3A_302 : i32
          %sub3A_304 = arith.constant 1 : i32
          %sub3A_305 = arith.subi %add3A_303, %sub3A_304 : i32
          %mul3A_306 = arith.constant 128 : i32
          %mul3A_307 = arith.muli %scan3A_247, %mul3A_306 : i32
          %sub3A_308 = arith.subi %sub3A_305, %mul3A_307 : i32
          %sub3A_309 = arith.constant 16 : i32
          %sub3A_310 = arith.subi %sub3A_308, %sub3A_309 : i32
          %sub3A_311 = vector.broadcast %sub3A_310 : i32 to vector<16xi32>
          %sub3A_312 = arith.subi %sub3A_311, %iota3A : vector<16xi32>
          %gather3A_313 = tpu.vector_load_idx %arg4[%sub3A_312, %and3A_283] : memref<3971x16xf32, #tpu.memory_space<vmem>>[vector<16xi32>, vector<16xi32>], vector<16xf32>,
          %add3A_314 = arith.constant 16 : i32
          %add3A_315 = vector.broadcast %add3A_314 : i32 to vector<16xi32>
          %add3A_316 = arith.addi %add3A_315, %iota3A : vector<16xi32>
          tpu.vector_store_idx %arg5[%shift_right_arithmetic3A_285, %add3A_257, %and3A_288, %add3A_316], %gather3A_313 : memref<2x31x8x128xf32, #tpu.memory_space<vmem>>[vector<16xi32>, vector<16xi32>, vector<16xi32>, vector<16xi32>], vector<16xf32>,
          %add3A_317 = arith.constant 3968 : i32
          %add3A_318 = arith.addi %scan3A_239, %add3A_317 : i32
          %sub3A_319 = arith.constant 1 : i32
          %sub3A_320 = arith.subi %add3A_318, %sub3A_319 : i32
          %mul3A_321 = arith.constant 128 : i32
          %mul3A_322 = arith.muli %scan3A_247, %mul3A_321 : i32
          %sub3A_323 = arith.subi %sub3A_320, %mul3A_322 : i32
          %sub3A_324 = arith.constant 32 : i32
          %sub3A_325 = arith.subi %sub3A_323, %sub3A_324 : i32
          %sub3A_326 = vector.broadcast %sub3A_325 : i32 to vector<16xi32>
          %sub3A_327 = arith.subi %sub3A_326, %iota3A : vector<16xi32>
          %gather3A_328 = tpu.vector_load_idx %arg4[%sub3A_327, %and3A_283] : memref<3971x16xf32, #tpu.memory_space<vmem>>[vector<16xi32>, vector<16xi32>], vector<16xf32>,
          %add3A_329 = arith.constant 32 : i32
          %add3A_330 = vector.broadcast %add3A_329 : i32 to vector<16xi32>
          %add3A_331 = arith.addi %add3A_330, %iota3A : vector<16xi32>
          tpu.vector_store_idx %arg5[%shift_right_arithmetic3A_285, %add3A_257, %and3A_288, %add3A_331], %gather3A_328 : memref<2x31x8x128xf32, #tpu.memory_space<vmem>>[vector<16xi32>, vector<16xi32>, vector<16xi32>, vector<16xi32>], vector<16xf32>,
          %add3A_332 = arith.constant 3968 : i32
          %add3A_333 = arith.addi %scan3A_239, %add3A_332 : i32
          %sub3A_334 = arith.constant 1 : i32
          %sub3A_335 = arith.subi %add3A_333, %sub3A_334 : i32
          %mul3A_336 = arith.constant 128 : i32
          %mul3A_337 = arith.muli %scan3A_247, %mul3A_336 : i32
          %sub3A_338 = arith.subi %sub3A_335, %mul3A_337 : i32
          %sub3A_339 = arith.constant 48 : i32
          %sub3A_340 = arith.subi %sub3A_338, %sub3A_339 : i32
          %sub3A_341 = vector.broadcast %sub3A_340 : i32 to vector<16xi32>
          %sub3A_342 = arith.subi %sub3A_341, %iota3A : vector<16xi32>
          %gather3A_343 = tpu.vector_load_idx %arg4[%sub3A_342, %and3A_283] : memref<3971x16xf32, #tpu.memory_space<vmem>>[vector<16xi32>, vector<16xi32>], vector<16xf32>,
          %add3A_344 = arith.constant 48 : i32
          %add3A_345 = vector.broadcast %add3A_344 : i32 to vector<16xi32>
          %add3A_346 = arith.addi %add3A_345, %iota3A : vector<16xi32>
          tpu.vector_store_idx %arg5[%shift_right_arithmetic3A_285, %add3A_257, %and3A_288, %add3A_346], %gather3A_343 : memref<2x31x8x128xf32, #tpu.memory_space<vmem>>[vector<16xi32>, vector<16xi32>, vector<16xi32>, vector<16xi32>], vector<16xf32>,
          %add3A_347 = arith.constant 3968 : i32
          %add3A_348 = arith.addi %scan3A_239, %add3A_347 : i32
          %sub3A_349 = arith.constant 1 : i32
          %sub3A_350 = arith.subi %add3A_348, %sub3A_349 : i32
          %mul3A_351 = arith.constant 128 : i32
          %mul3A_352 = arith.muli %scan3A_247, %mul3A_351 : i32
          %sub3A_353 = arith.subi %sub3A_350, %mul3A_352 : i32
          %sub3A_354 = arith.constant 64 : i32
          %sub3A_355 = arith.subi %sub3A_353, %sub3A_354 : i32
          %sub3A_356 = vector.broadcast %sub3A_355 : i32 to vector<16xi32>
          %sub3A_357 = arith.subi %sub3A_356, %iota3A : vector<16xi32>
          %gather3A_358 = tpu.vector_load_idx %arg4[%sub3A_357, %and3A_283] : memref<3971x16xf32, #tpu.memory_space<vmem>>[vector<16xi32>, vector<16xi32>], vector<16xf32>,
          %add3A_359 = arith.constant 64 : i32
          %add3A_360 = vector.broadcast %add3A_359 : i32 to vector<16xi32>
          %add3A_361 = arith.addi %add3A_360, %iota3A : vector<16xi32>
          tpu.vector_store_idx %arg5[%shift_right_arithmetic3A_285, %add3A_257, %and3A_288, %add3A_361], %gather3A_358 : memref<2x31x8x128xf32, #tpu.memory_space<vmem>>[vector<16xi32>, vector<16xi32>, vector<16xi32>, vector<16xi32>], vector<16xf32>,
          %add3A_362 = arith.constant 3968 : i32
          %add3A_363 = arith.addi %scan3A_239, %add3A_362 : i32
          %sub3A_364 = arith.constant 1 : i32
          %sub3A_365 = arith.subi %add3A_363, %sub3A_364 : i32
          %mul3A_366 = arith.constant 128 : i32
          %mul3A_367 = arith.muli %scan3A_247, %mul3A_366 : i32
          %sub3A_368 = arith.subi %sub3A_365, %mul3A_367 : i32
          %sub3A_369 = arith.constant 80 : i32
          %sub3A_370 = arith.subi %sub3A_368, %sub3A_369 : i32
          %sub3A_371 = vector.broadcast %sub3A_370 : i32 to vector<16xi32>
          %sub3A_372 = arith.subi %sub3A_371, %iota3A : vector<16xi32>
          %gather3A_373 = tpu.vector_load_idx %arg4[%sub3A_372, %and3A_283] : memref<3971x16xf32, #tpu.memory_space<vmem>>[vector<16xi32>, vector<16xi32>], vector<16xf32>,
          %add3A_374 = arith.constant 80 : i32
          %add3A_375 = vector.broadcast %add3A_374 : i32 to vector<16xi32>
          %add3A_376 = arith.addi %add3A_375, %iota3A : vector<16xi32>
          tpu.vector_store_idx %arg5[%shift_right_arithmetic3A_285, %add3A_257, %and3A_288, %add3A_376], %gather3A_373 : memref<2x31x8x128xf32, #tpu.memory_space<vmem>>[vector<16xi32>, vector<16xi32>, vector<16xi32>, vector<16xi32>], vector<16xf32>,
          %add3A_377 = arith.constant 3968 : i32
          %add3A_378 = arith.addi %scan3A_239, %add3A_377 : i32
          %sub3A_379 = arith.constant 1 : i32
          %sub3A_380 = arith.subi %add3A_378, %sub3A_379 : i32
          %mul3A_381 = arith.constant 128 : i32
          %mul3A_382 = arith.muli %scan3A_247, %mul3A_381 : i32
          %sub3A_383 = arith.subi %sub3A_380, %mul3A_382 : i32
          %sub3A_384 = arith.constant 96 : i32
          %sub3A_385 = arith.subi %sub3A_383, %sub3A_384 : i32
          %sub3A_386 = vector.broadcast %sub3A_385 : i32 to vector<16xi32>
          %sub3A_387 = arith.subi %sub3A_386, %iota3A : vector<16xi32>
          %gather3A_388 = tpu.vector_load_idx %arg4[%sub3A_387, %and3A_283] : memref<3971x16xf32, #tpu.memory_space<vmem>>[vector<16xi32>, vector<16xi32>], vector<16xf32>,
          %add3A_389 = arith.constant 96 : i32
          %add3A_390 = vector.broadcast %add3A_389 : i32 to vector<16xi32>
          %add3A_391 = arith.addi %add3A_390, %iota3A : vector<16xi32>
          tpu.vector_store_idx %arg5[%shift_right_arithmetic3A_285, %add3A_257, %and3A_288, %add3A_391], %gather3A_388 : memref<2x31x8x128xf32, #tpu.memory_space<vmem>>[vector<16xi32>, vector<16xi32>, vector<16xi32>, vector<16xi32>], vector<16xf32>,
          %add3A_392 = arith.constant 3968 : i32
          %add3A_393 = arith.addi %scan3A_239, %add3A_392 : i32
          %sub3A_394 = arith.constant 1 : i32
          %sub3A_395 = arith.subi %add3A_393, %sub3A_394 : i32
          %mul3A_396 = arith.constant 128 : i32
          %mul3A_397 = arith.muli %scan3A_247, %mul3A_396 : i32
          %sub3A_398 = arith.subi %sub3A_395, %mul3A_397 : i32
          %sub3A_399 = arith.constant 112 : i32
          %sub3A_400 = arith.subi %sub3A_398, %sub3A_399 : i32
          %sub3A_401 = vector.broadcast %sub3A_400 : i32 to vector<16xi32>
          %sub3A_402 = arith.subi %sub3A_401, %iota3A : vector<16xi32>
          %gather3A_403 = tpu.vector_load_idx %arg4[%sub3A_402, %and3A_283] : memref<3971x16xf32, #tpu.memory_space<vmem>>[vector<16xi32>, vector<16xi32>], vector<16xf32>,
          %add3A_404 = arith.constant 112 : i32
          %add3A_405 = vector.broadcast %add3A_404 : i32 to vector<16xi32>
          %add3A_406 = arith.addi %add3A_405, %iota3A : vector<16xi32>
          tpu.vector_store_idx %arg5[%shift_right_arithmetic3A_285, %add3A_257, %and3A_288, %add3A_406], %gather3A_403 : memref<2x31x8x128xf32, #tpu.memory_space<vmem>>[vector<16xi32>, vector<16xi32>, vector<16xi32>, vector<16xi32>], vector<16xf32>,
          %mul3A_407 = arith.constant 4 : i32
          %mul3A_408 = arith.muli %scan3A_274, %mul3A_407 : i32
          %add3A_409 = arith.constant 1 : i32
          %add3A_410 = arith.addi %mul3A_408, %add3A_409 : i32
          %add3A_411 = vector.broadcast %add3A_410 : i32 to vector<16xi32>
          %add3A_412 = arith.addi %add3A_411, %iota3A : vector<16xi32>
          %and3A_413 = arith.constant 15 : i32
          %and3A_414 = vector.broadcast %and3A_413 : i32 to vector<16xi32>
          %and3A_415 = arith.andi %add3A_412, %and3A_414 : vector<16xi32>
          %shift_right_arithmetic3A_416 = arith.constant 3 : i32
          %shift_right_arithmetic3A_417 = vector.broadcast %shift_right_arithmetic3A_416 : i32 to vector<16xi32>
          %shift_right_arithmetic3A_418 = arith.shrsi %and3A_415, %shift_right_arithmetic3A_417 : vector<16xi32>
          %and3A_419 = arith.constant 7 : i32
          %and3A_420 = vector.broadcast %and3A_419 : i32 to vector<16xi32>
          %and3A_421 = arith.andi %and3A_415, %and3A_420 : vector<16xi32>
          %add3A_422 = arith.constant 3968 : i32
          %add3A_423 = arith.addi %scan3A_239, %add3A_422 : i32
          %sub3A_424 = arith.constant 1 : i32
          %sub3A_425 = arith.subi %add3A_423, %sub3A_424 : i32
          %mul3A_426 = arith.constant 128 : i32
          %mul3A_427 = arith.muli %scan3A_247, %mul3A_426 : i32
          %sub3A_428 = arith.subi %sub3A_425, %mul3A_427 : i32
          %sub3A_429 = arith.constant 0 : i32
          %sub3A_430 = arith.subi %sub3A_428, %sub3A_429 : i32
          %sub3A_431 = vector.broadcast %sub3A_430 : i32 to vector<16xi32>
          %sub3A_432 = arith.subi %sub3A_431, %iota3A : vector<16xi32>
          %gather3A_433 = tpu.vector_load_idx %arg4[%sub3A_432, %and3A_415] : memref<3971x16xf32, #tpu.memory_space<vmem>>[vector<16xi32>, vector<16xi32>], vector<16xf32>,
          %add3A_434 = arith.constant 0 : i32
          %add3A_435 = vector.broadcast %add3A_434 : i32 to vector<16xi32>
          %add3A_436 = arith.addi %add3A_435, %iota3A : vector<16xi32>
          tpu.vector_store_idx %arg5[%shift_right_arithmetic3A_418, %add3A_257, %and3A_421, %add3A_436], %gather3A_433 : memref<2x31x8x128xf32, #tpu.memory_space<vmem>>[vector<16xi32>, vector<16xi32>, vector<16xi32>, vector<16xi32>], vector<16xf32>,
          %add3A_437 = arith.constant 3968 : i32
          %add3A_438 = arith.addi %scan3A_239, %add3A_437 : i32
          %sub3A_439 = arith.constant 1 : i32
          %sub3A_440 = arith.subi %add3A_438, %sub3A_439 : i32
          %mul3A_441 = arith.constant 128 : i32
          %mul3A_442 = arith.muli %scan3A_247, %mul3A_441 : i32
          %sub3A_443 = arith.subi %sub3A_440, %mul3A_442 : i32
          %sub3A_444 = arith.constant 16 : i32
          %sub3A_445 = arith.subi %sub3A_443, %sub3A_444 : i32
          %sub3A_446 = vector.broadcast %sub3A_445 : i32 to vector<16xi32>
          %sub3A_447 = arith.subi %sub3A_446, %iota3A : vector<16xi32>
          %gather3A_448 = tpu.vector_load_idx %arg4[%sub3A_447, %and3A_415] : memref<3971x16xf32, #tpu.memory_space<vmem>>[vector<16xi32>, vector<16xi32>], vector<16xf32>,
          %add3A_449 = arith.constant 16 : i32
          %add3A_450 = vector.broadcast %add3A_449 : i32 to vector<16xi32>
          %add3A_451 = arith.addi %add3A_450, %iota3A : vector<16xi32>
          tpu.vector_store_idx %arg5[%shift_right_arithmetic3A_418, %add3A_257, %and3A_421, %add3A_451], %gather3A_448 : memref<2x31x8x128xf32, #tpu.memory_space<vmem>>[vector<16xi32>, vector<16xi32>, vector<16xi32>, vector<16xi32>], vector<16xf32>,
          %add3A_452 = arith.constant 3968 : i32
          %add3A_453 = arith.addi %scan3A_239, %add3A_452 : i32
          %sub3A_454 = arith.constant 1 : i32
          %sub3A_455 = arith.subi %add3A_453, %sub3A_454 : i32
          %mul3A_456 = arith.constant 128 : i32
          %mul3A_457 = arith.muli %scan3A_247, %mul3A_456 : i32
          %sub3A_458 = arith.subi %sub3A_455, %mul3A_457 : i32
          %sub3A_459 = arith.constant 32 : i32
          %sub3A_460 = arith.subi %sub3A_458, %sub3A_459 : i32
          %sub3A_461 = vector.broadcast %sub3A_460 : i32 to vector<16xi32>
          %sub3A_462 = arith.subi %sub3A_461, %iota3A : vector<16xi32>
          %gather3A_463 = tpu.vector_load_idx %arg4[%sub3A_462, %and3A_415] : memref<3971x16xf32, #tpu.memory_space<vmem>>[vector<16xi32>, vector<16xi32>], vector<16xf32>,
          %add3A_464 = arith.constant 32 : i32
          %add3A_465 = vector.broadcast %add3A_464 : i32 to vector<16xi32>
          %add3A_466 = arith.addi %add3A_465, %iota3A : vector<16xi32>
          tpu.vector_store_idx %arg5[%shift_right_arithmetic3A_418, %add3A_257, %and3A_421, %add3A_466], %gather3A_463 : memref<2x31x8x128xf32, #tpu.memory_space<vmem>>[vector<16xi32>, vector<16xi32>, vector<16xi32>, vector<16xi32>], vector<16xf32>,
          %add3A_467 = arith.constant 3968 : i32
          %add3A_468 = arith.addi %scan3A_239, %add3A_467 : i32
          %sub3A_469 = arith.constant 1 : i32
          %sub3A_470 = arith.subi %add3A_468, %sub3A_469 : i32
          %mul3A_471 = arith.constant 128 : i32
          %mul3A_472 = arith.muli %scan3A_247, %mul3A_471 : i32
          %sub3A_473 = arith.subi %sub3A_470, %mul3A_472 : i32
          %sub3A_474 = arith.constant 48 : i32
          %sub3A_475 = arith.subi %sub3A_473, %sub3A_474 : i32
          %sub3A_476 = vector.broadcast %sub3A_475 : i32 to vector<16xi32>
          %sub3A_477 = arith.subi %sub3A_476, %iota3A : vector<16xi32>
          %gather3A_478 = tpu.vector_load_idx %arg4[%sub3A_477, %and3A_415] : memref<3971x16xf32, #tpu.memory_space<vmem>>[vector<16xi32>, vector<16xi32>], vector<16xf32>,
          %add3A_479 = arith.constant 48 : i32
          %add3A_480 = vector.broadcast %add3A_479 : i32 to vector<16xi32>
          %add3A_481 = arith.addi %add3A_480, %iota3A : vector<16xi32>
          tpu.vector_store_idx %arg5[%shift_right_arithmetic3A_418, %add3A_257, %and3A_421, %add3A_481], %gather3A_478 : memref<2x31x8x128xf32, #tpu.memory_space<vmem>>[vector<16xi32>, vector<16xi32>, vector<16xi32>, vector<16xi32>], vector<16xf32>,
          %add3A_482 = arith.constant 3968 : i32
          %add3A_483 = arith.addi %scan3A_239, %add3A_482 : i32
          %sub3A_484 = arith.constant 1 : i32
          %sub3A_485 = arith.subi %add3A_483, %sub3A_484 : i32
          %mul3A_486 = arith.constant 128 : i32
          %mul3A_487 = arith.muli %scan3A_247, %mul3A_486 : i32
          %sub3A_488 = arith.subi %sub3A_485, %mul3A_487 : i32
          %sub3A_489 = arith.constant 64 : i32
          %sub3A_490 = arith.subi %sub3A_488, %sub3A_489 : i32
          %sub3A_491 = vector.broadcast %sub3A_490 : i32 to vector<16xi32>
          %sub3A_492 = arith.subi %sub3A_491, %iota3A : vector<16xi32>
          %gather3A_493 = tpu.vector_load_idx %arg4[%sub3A_492, %and3A_415] : memref<3971x16xf32, #tpu.memory_space<vmem>>[vector<16xi32>, vector<16xi32>], vector<16xf32>,
          %add3A_494 = arith.constant 64 : i32
          %add3A_495 = vector.broadcast %add3A_494 : i32 to vector<16xi32>
          %add3A_496 = arith.addi %add3A_495, %iota3A : vector<16xi32>
          tpu.vector_store_idx %arg5[%shift_right_arithmetic3A_418, %add3A_257, %and3A_421, %add3A_496], %gather3A_493 : memref<2x31x8x128xf32, #tpu.memory_space<vmem>>[vector<16xi32>, vector<16xi32>, vector<16xi32>, vector<16xi32>], vector<16xf32>,
          %add3A_497 = arith.constant 3968 : i32
          %add3A_498 = arith.addi %scan3A_239, %add3A_497 : i32
          %sub3A_499 = arith.constant 1 : i32
          %sub3A_500 = arith.subi %add3A_498, %sub3A_499 : i32
          %mul3A_501 = arith.constant 128 : i32
          %mul3A_502 = arith.muli %scan3A_247, %mul3A_501 : i32
          %sub3A_503 = arith.subi %sub3A_500, %mul3A_502 : i32
          %sub3A_504 = arith.constant 80 : i32
          %sub3A_505 = arith.subi %sub3A_503, %sub3A_504 : i32
          %sub3A_506 = vector.broadcast %sub3A_505 : i32 to vector<16xi32>
          %sub3A_507 = arith.subi %sub3A_506, %iota3A : vector<16xi32>
          %gather3A_508 = tpu.vector_load_idx %arg4[%sub3A_507, %and3A_415] : memref<3971x16xf32, #tpu.memory_space<vmem>>[vector<16xi32>, vector<16xi32>], vector<16xf32>,
          %add3A_509 = arith.constant 80 : i32
          %add3A_510 = vector.broadcast %add3A_509 : i32 to vector<16xi32>
          %add3A_511 = arith.addi %add3A_510, %iota3A : vector<16xi32>
          tpu.vector_store_idx %arg5[%shift_right_arithmetic3A_418, %add3A_257, %and3A_421, %add3A_511], %gather3A_508 : memref<2x31x8x128xf32, #tpu.memory_space<vmem>>[vector<16xi32>, vector<16xi32>, vector<16xi32>, vector<16xi32>], vector<16xf32>,
          %add3A_512 = arith.constant 3968 : i32
          %add3A_513 = arith.addi %scan3A_239, %add3A_512 : i32
          %sub3A_514 = arith.constant 1 : i32
          %sub3A_515 = arith.subi %add3A_513, %sub3A_514 : i32
          %mul3A_516 = arith.constant 128 : i32
          %mul3A_517 = arith.muli %scan3A_247, %mul3A_516 : i32
          %sub3A_518 = arith.subi %sub3A_515, %mul3A_517 : i32
          %sub3A_519 = arith.constant 96 : i32
          %sub3A_520 = arith.subi %sub3A_518, %sub3A_519 : i32
          %sub3A_521 = vector.broadcast %sub3A_520 : i32 to vector<16xi32>
          %sub3A_522 = arith.subi %sub3A_521, %iota3A : vector<16xi32>
          %gather3A_523 = tpu.vector_load_idx %arg4[%sub3A_522, %and3A_415] : memref<3971x16xf32, #tpu.memory_space<vmem>>[vector<16xi32>, vector<16xi32>], vector<16xf32>,
          %add3A_524 = arith.constant 96 : i32
          %add3A_525 = vector.broadcast %add3A_524 : i32 to vector<16xi32>
          %add3A_526 = arith.addi %add3A_525, %iota3A : vector<16xi32>
          tpu.vector_store_idx %arg5[%shift_right_arithmetic3A_418, %add3A_257, %and3A_421, %add3A_526], %gather3A_523 : memref<2x31x8x128xf32, #tpu.memory_space<vmem>>[vector<16xi32>, vector<16xi32>, vector<16xi32>, vector<16xi32>], vector<16xf32>,
          %add3A_527 = arith.constant 3968 : i32
          %add3A_528 = arith.addi %scan3A_239, %add3A_527 : i32
          %sub3A_529 = arith.constant 1 : i32
          %sub3A_530 = arith.subi %add3A_528, %sub3A_529 : i32
          %mul3A_531 = arith.constant 128 : i32
          %mul3A_532 = arith.muli %scan3A_247, %mul3A_531 : i32
          %sub3A_533 = arith.subi %sub3A_530, %mul3A_532 : i32
          %sub3A_534 = arith.constant 112 : i32
          %sub3A_535 = arith.subi %sub3A_533, %sub3A_534 : i32
          %sub3A_536 = vector.broadcast %sub3A_535 : i32 to vector<16xi32>
          %sub3A_537 = arith.subi %sub3A_536, %iota3A : vector<16xi32>
          %gather3A_538 = tpu.vector_load_idx %arg4[%sub3A_537, %and3A_415] : memref<3971x16xf32, #tpu.memory_space<vmem>>[vector<16xi32>, vector<16xi32>], vector<16xf32>,
          %add3A_539 = arith.constant 112 : i32
          %add3A_540 = vector.broadcast %add3A_539 : i32 to vector<16xi32>
          %add3A_541 = arith.addi %add3A_540, %iota3A : vector<16xi32>
          tpu.vector_store_idx %arg5[%shift_right_arithmetic3A_418, %add3A_257, %and3A_421, %add3A_541], %gather3A_538 : memref<2x31x8x128xf32, #tpu.memory_space<vmem>>[vector<16xi32>, vector<16xi32>, vector<16xi32>, vector<16xi32>], vector<16xf32>,
          %mul3A_542 = arith.constant 4 : i32
          %mul3A_543 = arith.muli %scan3A_274, %mul3A_542 : i32
          %add3A_544 = arith.constant 2 : i32
          %add3A_545 = arith.addi %mul3A_543, %add3A_544 : i32
          %add3A_546 = vector.broadcast %add3A_545 : i32 to vector<16xi32>
          %add3A_547 = arith.addi %add3A_546, %iota3A : vector<16xi32>
          %and3A_548 = arith.constant 15 : i32
          %and3A_549 = vector.broadcast %and3A_548 : i32 to vector<16xi32>
          %and3A_550 = arith.andi %add3A_547, %and3A_549 : vector<16xi32>
          %shift_right_arithmetic3A_551 = arith.constant 3 : i32
          %shift_right_arithmetic3A_552 = vector.broadcast %shift_right_arithmetic3A_551 : i32 to vector<16xi32>
          %shift_right_arithmetic3A_553 = arith.shrsi %and3A_550, %shift_right_arithmetic3A_552 : vector<16xi32>
          %and3A_554 = arith.constant 7 : i32
          %and3A_555 = vector.broadcast %and3A_554 : i32 to vector<16xi32>
          %and3A_556 = arith.andi %and3A_550, %and3A_555 : vector<16xi32>
          %add3A_557 = arith.constant 3968 : i32
          %add3A_558 = arith.addi %scan3A_239, %add3A_557 : i32
          %sub3A_559 = arith.constant 1 : i32
          %sub3A_560 = arith.subi %add3A_558, %sub3A_559 : i32
          %mul3A_561 = arith.constant 128 : i32
          %mul3A_562 = arith.muli %scan3A_247, %mul3A_561 : i32
          %sub3A_563 = arith.subi %sub3A_560, %mul3A_562 : i32
          %sub3A_564 = arith.constant 0 : i32
          %sub3A_565 = arith.subi %sub3A_563, %sub3A_564 : i32
          %sub3A_566 = vector.broadcast %sub3A_565 : i32 to vector<16xi32>
          %sub3A_567 = arith.subi %sub3A_566, %iota3A : vector<16xi32>
          %gather3A_568 = tpu.vector_load_idx %arg4[%sub3A_567, %and3A_550] : memref<3971x16xf32, #tpu.memory_space<vmem>>[vector<16xi32>, vector<16xi32>], vector<16xf32>,
          %add3A_569 = arith.constant 0 : i32
          %add3A_570 = vector.broadcast %add3A_569 : i32 to vector<16xi32>
          %add3A_571 = arith.addi %add3A_570, %iota3A : vector<16xi32>
          tpu.vector_store_idx %arg5[%shift_right_arithmetic3A_553, %add3A_257, %and3A_556, %add3A_571], %gather3A_568 : memref<2x31x8x128xf32, #tpu.memory_space<vmem>>[vector<16xi32>, vector<16xi32>, vector<16xi32>, vector<16xi32>], vector<16xf32>,
          %add3A_572 = arith.constant 3968 : i32
          %add3A_573 = arith.addi %scan3A_239, %add3A_572 : i32
          %sub3A_574 = arith.constant 1 : i32
          %sub3A_575 = arith.subi %add3A_573, %sub3A_574 : i32
          %mul3A_576 = arith.constant 128 : i32
          %mul3A_577 = arith.muli %scan3A_247, %mul3A_576 : i32
          %sub3A_578 = arith.subi %sub3A_575, %mul3A_577 : i32
          %sub3A_579 = arith.constant 16 : i32
          %sub3A_580 = arith.subi %sub3A_578, %sub3A_579 : i32
          %sub3A_581 = vector.broadcast %sub3A_580 : i32 to vector<16xi32>
          %sub3A_582 = arith.subi %sub3A_581, %iota3A : vector<16xi32>
          %gather3A_583 = tpu.vector_load_idx %arg4[%sub3A_582, %and3A_550] : memref<3971x16xf32, #tpu.memory_space<vmem>>[vector<16xi32>, vector<16xi32>], vector<16xf32>,
          %add3A_584 = arith.constant 16 : i32
          %add3A_585 = vector.broadcast %add3A_584 : i32 to vector<16xi32>
          %add3A_586 = arith.addi %add3A_585, %iota3A : vector<16xi32>
          tpu.vector_store_idx %arg5[%shift_right_arithmetic3A_553, %add3A_257, %and3A_556, %add3A_586], %gather3A_583 : memref<2x31x8x128xf32, #tpu.memory_space<vmem>>[vector<16xi32>, vector<16xi32>, vector<16xi32>, vector<16xi32>], vector<16xf32>,
          %add3A_587 = arith.constant 3968 : i32
          %add3A_588 = arith.addi %scan3A_239, %add3A_587 : i32
          %sub3A_589 = arith.constant 1 : i32
          %sub3A_590 = arith.subi %add3A_588, %sub3A_589 : i32
          %mul3A_591 = arith.constant 128 : i32
          %mul3A_592 = arith.muli %scan3A_247, %mul3A_591 : i32
          %sub3A_593 = arith.subi %sub3A_590, %mul3A_592 : i32
          %sub3A_594 = arith.constant 32 : i32
          %sub3A_595 = arith.subi %sub3A_593, %sub3A_594 : i32
          %sub3A_596 = vector.broadcast %sub3A_595 : i32 to vector<16xi32>
          %sub3A_597 = arith.subi %sub3A_596, %iota3A : vector<16xi32>
          %gather3A_598 = tpu.vector_load_idx %arg4[%sub3A_597, %and3A_550] : memref<3971x16xf32, #tpu.memory_space<vmem>>[vector<16xi32>, vector<16xi32>], vector<16xf32>,
          %add3A_599 = arith.constant 32 : i32
          %add3A_600 = vector.broadcast %add3A_599 : i32 to vector<16xi32>
          %add3A_601 = arith.addi %add3A_600, %iota3A : vector<16xi32>
          tpu.vector_store_idx %arg5[%shift_right_arithmetic3A_553, %add3A_257, %and3A_556, %add3A_601], %gather3A_598 : memref<2x31x8x128xf32, #tpu.memory_space<vmem>>[vector<16xi32>, vector<16xi32>, vector<16xi32>, vector<16xi32>], vector<16xf32>,
          %add3A_602 = arith.constant 3968 : i32
          %add3A_603 = arith.addi %scan3A_239, %add3A_602 : i32
          %sub3A_604 = arith.constant 1 : i32
          %sub3A_605 = arith.subi %add3A_603, %sub3A_604 : i32
          %mul3A_606 = arith.constant 128 : i32
          %mul3A_607 = arith.muli %scan3A_247, %mul3A_606 : i32
          %sub3A_608 = arith.subi %sub3A_605, %mul3A_607 : i32
          %sub3A_609 = arith.constant 48 : i32
          %sub3A_610 = arith.subi %sub3A_608, %sub3A_609 : i32
          %sub3A_611 = vector.broadcast %sub3A_610 : i32 to vector<16xi32>
          %sub3A_612 = arith.subi %sub3A_611, %iota3A : vector<16xi32>
          %gather3A_613 = tpu.vector_load_idx %arg4[%sub3A_612, %and3A_550] : memref<3971x16xf32, #tpu.memory_space<vmem>>[vector<16xi32>, vector<16xi32>], vector<16xf32>,
          %add3A_614 = arith.constant 48 : i32
          %add3A_615 = vector.broadcast %add3A_614 : i32 to vector<16xi32>
          %add3A_616 = arith.addi %add3A_615, %iota3A : vector<16xi32>
          tpu.vector_store_idx %arg5[%shift_right_arithmetic3A_553, %add3A_257, %and3A_556, %add3A_616], %gather3A_613 : memref<2x31x8x128xf32, #tpu.memory_space<vmem>>[vector<16xi32>, vector<16xi32>, vector<16xi32>, vector<16xi32>], vector<16xf32>,
          %add3A_617 = arith.constant 3968 : i32
          %add3A_618 = arith.addi %scan3A_239, %add3A_617 : i32
          %sub3A_619 = arith.constant 1 : i32
          %sub3A_620 = arith.subi %add3A_618, %sub3A_619 : i32
          %mul3A_621 = arith.constant 128 : i32
          %mul3A_622 = arith.muli %scan3A_247, %mul3A_621 : i32
          %sub3A_623 = arith.subi %sub3A_620, %mul3A_622 : i32
          %sub3A_624 = arith.constant 64 : i32
          %sub3A_625 = arith.subi %sub3A_623, %sub3A_624 : i32
          %sub3A_626 = vector.broadcast %sub3A_625 : i32 to vector<16xi32>
          %sub3A_627 = arith.subi %sub3A_626, %iota3A : vector<16xi32>
          %gather3A_628 = tpu.vector_load_idx %arg4[%sub3A_627, %and3A_550] : memref<3971x16xf32, #tpu.memory_space<vmem>>[vector<16xi32>, vector<16xi32>], vector<16xf32>,
          %add3A_629 = arith.constant 64 : i32
          %add3A_630 = vector.broadcast %add3A_629 : i32 to vector<16xi32>
          %add3A_631 = arith.addi %add3A_630, %iota3A : vector<16xi32>
          tpu.vector_store_idx %arg5[%shift_right_arithmetic3A_553, %add3A_257, %and3A_556, %add3A_631], %gather3A_628 : memref<2x31x8x128xf32, #tpu.memory_space<vmem>>[vector<16xi32>, vector<16xi32>, vector<16xi32>, vector<16xi32>], vector<16xf32>,
          %add3A_632 = arith.constant 3968 : i32
          %add3A_633 = arith.addi %scan3A_239, %add3A_632 : i32
          %sub3A_634 = arith.constant 1 : i32
          %sub3A_635 = arith.subi %add3A_633, %sub3A_634 : i32
          %mul3A_636 = arith.constant 128 : i32
          %mul3A_637 = arith.muli %scan3A_247, %mul3A_636 : i32
          %sub3A_638 = arith.subi %sub3A_635, %mul3A_637 : i32
          %sub3A_639 = arith.constant 80 : i32
          %sub3A_640 = arith.subi %sub3A_638, %sub3A_639 : i32
          %sub3A_641 = vector.broadcast %sub3A_640 : i32 to vector<16xi32>
          %sub3A_642 = arith.subi %sub3A_641, %iota3A : vector<16xi32>
          %gather3A_643 = tpu.vector_load_idx %arg4[%sub3A_642, %and3A_550] : memref<3971x16xf32, #tpu.memory_space<vmem>>[vector<16xi32>, vector<16xi32>], vector<16xf32>,
          %add3A_644 = arith.constant 80 : i32
          %add3A_645 = vector.broadcast %add3A_644 : i32 to vector<16xi32>
          %add3A_646 = arith.addi %add3A_645, %iota3A : vector<16xi32>
          tpu.vector_store_idx %arg5[%shift_right_arithmetic3A_553, %add3A_257, %and3A_556, %add3A_646], %gather3A_643 : memref<2x31x8x128xf32, #tpu.memory_space<vmem>>[vector<16xi32>, vector<16xi32>, vector<16xi32>, vector<16xi32>], vector<16xf32>,
          %add3A_647 = arith.constant 3968 : i32
          %add3A_648 = arith.addi %scan3A_239, %add3A_647 : i32
          %sub3A_649 = arith.constant 1 : i32
          %sub3A_650 = arith.subi %add3A_648, %sub3A_649 : i32
          %mul3A_651 = arith.constant 128 : i32
          %mul3A_652 = arith.muli %scan3A_247, %mul3A_651 : i32
          %sub3A_653 = arith.subi %sub3A_650, %mul3A_652 : i32
          %sub3A_654 = arith.constant 96 : i32
          %sub3A_655 = arith.subi %sub3A_653, %sub3A_654 : i32
          %sub3A_656 = vector.broadcast %sub3A_655 : i32 to vector<16xi32>
          %sub3A_657 = arith.subi %sub3A_656, %iota3A : vector<16xi32>
          %gather3A_658 = tpu.vector_load_idx %arg4[%sub3A_657, %and3A_550] : memref<3971x16xf32, #tpu.memory_space<vmem>>[vector<16xi32>, vector<16xi32>], vector<16xf32>,
          %add3A_659 = arith.constant 96 : i32
          %add3A_660 = vector.broadcast %add3A_659 : i32 to vector<16xi32>
          %add3A_661 = arith.addi %add3A_660, %iota3A : vector<16xi32>
          tpu.vector_store_idx %arg5[%shift_right_arithmetic3A_553, %add3A_257, %and3A_556, %add3A_661], %gather3A_658 : memref<2x31x8x128xf32, #tpu.memory_space<vmem>>[vector<16xi32>, vector<16xi32>, vector<16xi32>, vector<16xi32>], vector<16xf32>,
          %add3A_662 = arith.constant 3968 : i32
          %add3A_663 = arith.addi %scan3A_239, %add3A_662 : i32
          %sub3A_664 = arith.constant 1 : i32
          %sub3A_665 = arith.subi %add3A_663, %sub3A_664 : i32
          %mul3A_666 = arith.constant 128 : i32
          %mul3A_667 = arith.muli %scan3A_247, %mul3A_666 : i32
          %sub3A_668 = arith.subi %sub3A_665, %mul3A_667 : i32
          %sub3A_669 = arith.constant 112 : i32
          %sub3A_670 = arith.subi %sub3A_668, %sub3A_669 : i32
          %sub3A_671 = vector.broadcast %sub3A_670 : i32 to vector<16xi32>
          %sub3A_672 = arith.subi %sub3A_671, %iota3A : vector<16xi32>
          %gather3A_673 = tpu.vector_load_idx %arg4[%sub3A_672, %and3A_550] : memref<3971x16xf32, #tpu.memory_space<vmem>>[vector<16xi32>, vector<16xi32>], vector<16xf32>,
          %add3A_674 = arith.constant 112 : i32
          %add3A_675 = vector.broadcast %add3A_674 : i32 to vector<16xi32>
          %add3A_676 = arith.addi %add3A_675, %iota3A : vector<16xi32>
          tpu.vector_store_idx %arg5[%shift_right_arithmetic3A_553, %add3A_257, %and3A_556, %add3A_676], %gather3A_673 : memref<2x31x8x128xf32, #tpu.memory_space<vmem>>[vector<16xi32>, vector<16xi32>, vector<16xi32>, vector<16xi32>], vector<16xf32>,
          %mul3A_677 = arith.constant 4 : i32
          %mul3A_678 = arith.muli %scan3A_274, %mul3A_677 : i32
          %add3A_679 = arith.constant 3 : i32
          %add3A_680 = arith.addi %mul3A_678, %add3A_679 : i32
          %add3A_681 = vector.broadcast %add3A_680 : i32 to vector<16xi32>
          %add3A_682 = arith.addi %add3A_681, %iota3A : vector<16xi32>
          %and3A_683 = arith.constant 15 : i32
          %and3A_684 = vector.broadcast %and3A_683 : i32 to vector<16xi32>
          %and3A_685 = arith.andi %add3A_682, %and3A_684 : vector<16xi32>
          %shift_right_arithmetic3A_686 = arith.constant 3 : i32
          %shift_right_arithmetic3A_687 = vector.broadcast %shift_right_arithmetic3A_686 : i32 to vector<16xi32>
          %shift_right_arithmetic3A_688 = arith.shrsi %and3A_685, %shift_right_arithmetic3A_687 : vector<16xi32>
          %and3A_689 = arith.constant 7 : i32
          %and3A_690 = vector.broadcast %and3A_689 : i32 to vector<16xi32>
          %and3A_691 = arith.andi %and3A_685, %and3A_690 : vector<16xi32>
          %add3A_692 = arith.constant 3968 : i32
          %add3A_693 = arith.addi %scan3A_239, %add3A_692 : i32
          %sub3A_694 = arith.constant 1 : i32
          %sub3A_695 = arith.subi %add3A_693, %sub3A_694 : i32
          %mul3A_696 = arith.constant 128 : i32
          %mul3A_697 = arith.muli %scan3A_247, %mul3A_696 : i32
          %sub3A_698 = arith.subi %sub3A_695, %mul3A_697 : i32
          %sub3A_699 = arith.constant 0 : i32
          %sub3A_700 = arith.subi %sub3A_698, %sub3A_699 : i32
          %sub3A_701 = vector.broadcast %sub3A_700 : i32 to vector<16xi32>
          %sub3A_702 = arith.subi %sub3A_701, %iota3A : vector<16xi32>
          %gather3A_703 = tpu.vector_load_idx %arg4[%sub3A_702, %and3A_685] : memref<3971x16xf32, #tpu.memory_space<vmem>>[vector<16xi32>, vector<16xi32>], vector<16xf32>,
          %add3A_704 = arith.constant 0 : i32
          %add3A_705 = vector.broadcast %add3A_704 : i32 to vector<16xi32>
          %add3A_706 = arith.addi %add3A_705, %iota3A : vector<16xi32>
          tpu.vector_store_idx %arg5[%shift_right_arithmetic3A_688, %add3A_257, %and3A_691, %add3A_706], %gather3A_703 : memref<2x31x8x128xf32, #tpu.memory_space<vmem>>[vector<16xi32>, vector<16xi32>, vector<16xi32>, vector<16xi32>], vector<16xf32>,
          %add3A_707 = arith.constant 3968 : i32
          %add3A_708 = arith.addi %scan3A_239, %add3A_707 : i32
          %sub3A_709 = arith.constant 1 : i32
          %sub3A_710 = arith.subi %add3A_708, %sub3A_709 : i32
          %mul3A_711 = arith.constant 128 : i32
          %mul3A_712 = arith.muli %scan3A_247, %mul3A_711 : i32
          %sub3A_713 = arith.subi %sub3A_710, %mul3A_712 : i32
          %sub3A_714 = arith.constant 16 : i32
          %sub3A_715 = arith.subi %sub3A_713, %sub3A_714 : i32
          %sub3A_716 = vector.broadcast %sub3A_715 : i32 to vector<16xi32>
          %sub3A_717 = arith.subi %sub3A_716, %iota3A : vector<16xi32>
          %gather3A_718 = tpu.vector_load_idx %arg4[%sub3A_717, %and3A_685] : memref<3971x16xf32, #tpu.memory_space<vmem>>[vector<16xi32>, vector<16xi32>], vector<16xf32>,
          %add3A_719 = arith.constant 16 : i32
          %add3A_720 = vector.broadcast %add3A_719 : i32 to vector<16xi32>
          %add3A_721 = arith.addi %add3A_720, %iota3A : vector<16xi32>
          tpu.vector_store_idx %arg5[%shift_right_arithmetic3A_688, %add3A_257, %and3A_691, %add3A_721], %gather3A_718 : memref<2x31x8x128xf32, #tpu.memory_space<vmem>>[vector<16xi32>, vector<16xi32>, vector<16xi32>, vector<16xi32>], vector<16xf32>,
          %add3A_722 = arith.constant 3968 : i32
          %add3A_723 = arith.addi %scan3A_239, %add3A_722 : i32
          %sub3A_724 = arith.constant 1 : i32
          %sub3A_725 = arith.subi %add3A_723, %sub3A_724 : i32
          %mul3A_726 = arith.constant 128 : i32
          %mul3A_727 = arith.muli %scan3A_247, %mul3A_726 : i32
          %sub3A_728 = arith.subi %sub3A_725, %mul3A_727 : i32
          %sub3A_729 = arith.constant 32 : i32
          %sub3A_730 = arith.subi %sub3A_728, %sub3A_729 : i32
          %sub3A_731 = vector.broadcast %sub3A_730 : i32 to vector<16xi32>
          %sub3A_732 = arith.subi %sub3A_731, %iota3A : vector<16xi32>
          %gather3A_733 = tpu.vector_load_idx %arg4[%sub3A_732, %and3A_685] : memref<3971x16xf32, #tpu.memory_space<vmem>>[vector<16xi32>, vector<16xi32>], vector<16xf32>,
          %add3A_734 = arith.constant 32 : i32
          %add3A_735 = vector.broadcast %add3A_734 : i32 to vector<16xi32>
          %add3A_736 = arith.addi %add3A_735, %iota3A : vector<16xi32>
          tpu.vector_store_idx %arg5[%shift_right_arithmetic3A_688, %add3A_257, %and3A_691, %add3A_736], %gather3A_733 : memref<2x31x8x128xf32, #tpu.memory_space<vmem>>[vector<16xi32>, vector<16xi32>, vector<16xi32>, vector<16xi32>], vector<16xf32>,
          %add3A_737 = arith.constant 3968 : i32
          %add3A_738 = arith.addi %scan3A_239, %add3A_737 : i32
          %sub3A_739 = arith.constant 1 : i32
          %sub3A_740 = arith.subi %add3A_738, %sub3A_739 : i32
          %mul3A_741 = arith.constant 128 : i32
          %mul3A_742 = arith.muli %scan3A_247, %mul3A_741 : i32
          %sub3A_743 = arith.subi %sub3A_740, %mul3A_742 : i32
          %sub3A_744 = arith.constant 48 : i32
          %sub3A_745 = arith.subi %sub3A_743, %sub3A_744 : i32
          %sub3A_746 = vector.broadcast %sub3A_745 : i32 to vector<16xi32>
          %sub3A_747 = arith.subi %sub3A_746, %iota3A : vector<16xi32>
          %gather3A_748 = tpu.vector_load_idx %arg4[%sub3A_747, %and3A_685] : memref<3971x16xf32, #tpu.memory_space<vmem>>[vector<16xi32>, vector<16xi32>], vector<16xf32>,
          %add3A_749 = arith.constant 48 : i32
          %add3A_750 = vector.broadcast %add3A_749 : i32 to vector<16xi32>
          %add3A_751 = arith.addi %add3A_750, %iota3A : vector<16xi32>
          tpu.vector_store_idx %arg5[%shift_right_arithmetic3A_688, %add3A_257, %and3A_691, %add3A_751], %gather3A_748 : memref<2x31x8x128xf32, #tpu.memory_space<vmem>>[vector<16xi32>, vector<16xi32>, vector<16xi32>, vector<16xi32>], vector<16xf32>,
          %add3A_752 = arith.constant 3968 : i32
          %add3A_753 = arith.addi %scan3A_239, %add3A_752 : i32
          %sub3A_754 = arith.constant 1 : i32
          %sub3A_755 = arith.subi %add3A_753, %sub3A_754 : i32
          %mul3A_756 = arith.constant 128 : i32
          %mul3A_757 = arith.muli %scan3A_247, %mul3A_756 : i32
          %sub3A_758 = arith.subi %sub3A_755, %mul3A_757 : i32
          %sub3A_759 = arith.constant 64 : i32
          %sub3A_760 = arith.subi %sub3A_758, %sub3A_759 : i32
          %sub3A_761 = vector.broadcast %sub3A_760 : i32 to vector<16xi32>
          %sub3A_762 = arith.subi %sub3A_761, %iota3A : vector<16xi32>
          %gather3A_763 = tpu.vector_load_idx %arg4[%sub3A_762, %and3A_685] : memref<3971x16xf32, #tpu.memory_space<vmem>>[vector<16xi32>, vector<16xi32>], vector<16xf32>,
          %add3A_764 = arith.constant 64 : i32
          %add3A_765 = vector.broadcast %add3A_764 : i32 to vector<16xi32>
          %add3A_766 = arith.addi %add3A_765, %iota3A : vector<16xi32>
          tpu.vector_store_idx %arg5[%shift_right_arithmetic3A_688, %add3A_257, %and3A_691, %add3A_766], %gather3A_763 : memref<2x31x8x128xf32, #tpu.memory_space<vmem>>[vector<16xi32>, vector<16xi32>, vector<16xi32>, vector<16xi32>], vector<16xf32>,
          %add3A_767 = arith.constant 3968 : i32
          %add3A_768 = arith.addi %scan3A_239, %add3A_767 : i32
          %sub3A_769 = arith.constant 1 : i32
          %sub3A_770 = arith.subi %add3A_768, %sub3A_769 : i32
          %mul3A_771 = arith.constant 128 : i32
          %mul3A_772 = arith.muli %scan3A_247, %mul3A_771 : i32
          %sub3A_773 = arith.subi %sub3A_770, %mul3A_772 : i32
          %sub3A_774 = arith.constant 80 : i32
          %sub3A_775 = arith.subi %sub3A_773, %sub3A_774 : i32
          %sub3A_776 = vector.broadcast %sub3A_775 : i32 to vector<16xi32>
          %sub3A_777 = arith.subi %sub3A_776, %iota3A : vector<16xi32>
          %gather3A_778 = tpu.vector_load_idx %arg4[%sub3A_777, %and3A_685] : memref<3971x16xf32, #tpu.memory_space<vmem>>[vector<16xi32>, vector<16xi32>], vector<16xf32>,
          %add3A_779 = arith.constant 80 : i32
          %add3A_780 = vector.broadcast %add3A_779 : i32 to vector<16xi32>
          %add3A_781 = arith.addi %add3A_780, %iota3A : vector<16xi32>
          tpu.vector_store_idx %arg5[%shift_right_arithmetic3A_688, %add3A_257, %and3A_691, %add3A_781], %gather3A_778 : memref<2x31x8x128xf32, #tpu.memory_space<vmem>>[vector<16xi32>, vector<16xi32>, vector<16xi32>, vector<16xi32>], vector<16xf32>,
          %add3A_782 = arith.constant 3968 : i32
          %add3A_783 = arith.addi %scan3A_239, %add3A_782 : i32
          %sub3A_784 = arith.constant 1 : i32
          %sub3A_785 = arith.subi %add3A_783, %sub3A_784 : i32
          %mul3A_786 = arith.constant 128 : i32
          %mul3A_787 = arith.muli %scan3A_247, %mul3A_786 : i32
          %sub3A_788 = arith.subi %sub3A_785, %mul3A_787 : i32
          %sub3A_789 = arith.constant 96 : i32
          %sub3A_790 = arith.subi %sub3A_788, %sub3A_789 : i32
          %sub3A_791 = vector.broadcast %sub3A_790 : i32 to vector<16xi32>
          %sub3A_792 = arith.subi %sub3A_791, %iota3A : vector<16xi32>
          %gather3A_793 = tpu.vector_load_idx %arg4[%sub3A_792, %and3A_685] : memref<3971x16xf32, #tpu.memory_space<vmem>>[vector<16xi32>, vector<16xi32>], vector<16xf32>,
          %add3A_794 = arith.constant 96 : i32
          %add3A_795 = vector.broadcast %add3A_794 : i32 to vector<16xi32>
          %add3A_796 = arith.addi %add3A_795, %iota3A : vector<16xi32>
          tpu.vector_store_idx %arg5[%shift_right_arithmetic3A_688, %add3A_257, %and3A_691, %add3A_796], %gather3A_793 : memref<2x31x8x128xf32, #tpu.memory_space<vmem>>[vector<16xi32>, vector<16xi32>, vector<16xi32>, vector<16xi32>], vector<16xf32>,
          %add3A_797 = arith.constant 3968 : i32
          %add3A_798 = arith.addi %scan3A_239, %add3A_797 : i32
          %sub3A_799 = arith.constant 1 : i32
          %sub3A_800 = arith.subi %add3A_798, %sub3A_799 : i32
          %mul3A_801 = arith.constant 128 : i32
          %mul3A_802 = arith.muli %scan3A_247, %mul3A_801 : i32
          %sub3A_803 = arith.subi %sub3A_800, %mul3A_802 : i32
          %sub3A_804 = arith.constant 112 : i32
          %sub3A_805 = arith.subi %sub3A_803, %sub3A_804 : i32
          %sub3A_806 = vector.broadcast %sub3A_805 : i32 to vector<16xi32>
          %sub3A_807 = arith.subi %sub3A_806, %iota3A : vector<16xi32>
          %gather3A_808 = tpu.vector_load_idx %arg4[%sub3A_807, %and3A_685] : memref<3971x16xf32, #tpu.memory_space<vmem>>[vector<16xi32>, vector<16xi32>], vector<16xf32>,
          %add3A_809 = arith.constant 112 : i32
          %add3A_810 = vector.broadcast %add3A_809 : i32 to vector<16xi32>
          %add3A_811 = arith.addi %add3A_810, %iota3A : vector<16xi32>
          tpu.vector_store_idx %arg5[%shift_right_arithmetic3A_688, %add3A_257, %and3A_691, %add3A_811], %gather3A_808 : memref<2x31x8x128xf32, #tpu.memory_space<vmem>>[vector<16xi32>, vector<16xi32>, vector<16xi32>, vector<16xi32>], vector<16xf32>,
        }
        %scan3A_263 = arith.constant 4 : i32
        %ge3A_264 = arith.constant 15 : i32
        %ge3A_265 = arith.cmpi sge, %scan3A_247, %ge3A_264 : i32
        %convert_element_type3A_266 = arith.extui %ge3A_265 : i1 to i32
        %cond3A_267 = arith.constant 0 : i32
        %cond3A_268 = arith.cmpi ne, %convert_element_type3A_266, %cond3A_267 : i32
        scf.if %cond3A_268 {
          %sub3A = arith.constant 30 : i32
          %sub3A_274 = arith.subi %sub3A, %scan3A_247 : i32
          %sub3A_275 = arith.constant 15 : i32
          %sub3A_276 = arith.subi %sub3A_275, %sub3A_274 : i32
          %mul3A_277 = arith.constant 128 : i32
          %mul3A_278 = arith.muli %mul3A_277, %sub3A_274 : i32
          %add3A_279 = arith.addi %add3A_240, %mul3A_278 : i32
          %dma_start3A = arith.constant 0 : i32
          %dma_start3A_280 = arith.constant 0 : i32
          %dma_start3A_281 = arith.constant 0 : i32
          %dma_start3A_282 = tpu.memref_slice %arg5[%dma_start3A, %sub3A_276, %dma_start3A_280, %dma_start3A_281] : memref<2x31x8x128xf32, #tpu.memory_space<vmem>> -> memref<2x16x8x128xf32, #tpu.memory_space<vmem>>
          %dma_start3A_283 = arith.constant 0 : i32
          %dma_start3A_284 = arith.constant 0 : i32
          %dma_start3A_285 = arith.constant 0 : i32
          %dma_start3A_286 = arith.constant 0 : i32
          %dma_start3A_287 = tpu.memref_slice %arg3[%add3A_279, %dma_start3A_283, %dma_start3A_284, %dma_start3A_285, %dma_start3A_286] : memref<2048x2x16x8x128xf32, #tpu.memory_space<hbm>> -> memref<1x2x16x8x128xf32, #tpu.memory_space<hbm>>
          %dma_start3A_288 = tpu.memref_squeeze %dma_start3A_287 : memref<1x2x16x8x128xf32, #tpu.memory_space<hbm>> -> memref<2x16x8x128xf32, #tpu.memory_space<hbm>>
          %dma_start3A_289 = arith.constant 0 : i32
          %dma_start3A_290 = arith.constant 0 : i32
          %dma_start3A_291 = arith.constant 0 : i32
          %dma_start3A_292 = arith.constant 0 : i32
          %dma_start3A_293 = tpu.memref_slice %arg3[%add3A_279, %dma_start3A_289, %dma_start3A_290, %dma_start3A_291, %dma_start3A_292] : memref<2048x2x16x8x128xf32, #tpu.memory_space<hbm>> -> memref<1x2x16x8x128xf32, #tpu.memory_space<hbm>>
          %dma_start3A_294 = tpu.memref_squeeze %dma_start3A_293 : memref<1x2x16x8x128xf32, #tpu.memory_space<hbm>> -> memref<2x16x8x128xf32, #tpu.memory_space<hbm>>
          %dma_start3A_295 = arith.constant 0 : i32
          %dma_start3A_296 = arith.constant 0 : i32
          %dma_start3A_297 = arith.constant 0 : i32
          %dma_start3A_298 = tpu.memref_slice %arg5[%dma_start3A_295, %sub3A_276, %dma_start3A_296, %dma_start3A_297] : memref<2x31x8x128xf32, #tpu.memory_space<vmem>> -> memref<2x16x8x128xf32, #tpu.memory_space<vmem>>
          tpu.enqueue_dma source(%dma_start3A_298 : memref<2x16x8x128xf32, #tpu.memory_space<vmem>>) target(%dma_start3A_294 : memref<2x16x8x128xf32, #tpu.memory_space<hbm>>) target_semaphore(%arg6 : memref<!tpu.dma_semaphore, #tpu.memory_space<semaphore_mem>>)
        } else {
        }
        %ge3A_269 = arith.constant 25 : i32
        %ge3A_270 = arith.cmpi sge, %scan3A_247, %ge3A_269 : i32
        %convert_element_type3A_271 = arith.extui %ge3A_270 : i1 to i32
        %cond3A_272 = arith.constant 0 : i32
        %cond3A_273 = arith.cmpi ne, %convert_element_type3A_271, %cond3A_272 : i32
        scf.if %cond3A_273 {
          %dma_wait3A_274 = arith.constant 0 : i32
          %dma_wait3A_275 = arith.constant 0 : i32
          %dma_wait3A_276 = arith.constant 0 : i32
          %dma_wait3A_277 = arith.constant 0 : i32
          %dma_wait3A_278 = tpu.memref_slice %arg5[%dma_wait3A_274, %dma_wait3A_275, %dma_wait3A_276, %dma_wait3A_277] : memref<2x31x8x128xf32, #tpu.memory_space<vmem>> -> memref<2x16x8x128xf32, #tpu.memory_space<vmem>>
          %dma_wait3A_279 = arith.constant 0 : i32
          %dma_wait3A_280 = arith.constant 0 : i32
          %dma_wait3A_281 = arith.constant 0 : i32
          %dma_wait3A_282 = arith.constant 0 : i32
          %dma_wait3A_283 = tpu.memref_slice %arg3[%add3A_240, %dma_wait3A_279, %dma_wait3A_280, %dma_wait3A_281, %dma_wait3A_282] : memref<2048x2x16x8x128xf32, #tpu.memory_space<hbm>> -> memref<1x2x16x8x128xf32, #tpu.memory_space<hbm>>
          %dma_wait3A_284 = tpu.memref_squeeze %dma_wait3A_283 : memref<1x2x16x8x128xf32, #tpu.memory_space<hbm>> -> memref<2x16x8x128xf32, #tpu.memory_space<hbm>>
          %dma_wait3A_285 = arith.constant 0 : i32
          %dma_wait3A_286 = arith.constant 0 : i32
          %dma_wait3A_287 = arith.constant 0 : i32
          %dma_wait3A_288 = arith.constant 0 : i32
          %dma_wait3A_289 = tpu.memref_slice %arg3[%add3A_240, %dma_wait3A_285, %dma_wait3A_286, %dma_wait3A_287, %dma_wait3A_288] : memref<2048x2x16x8x128xf32, #tpu.memory_space<hbm>> -> memref<1x2x16x8x128xf32, #tpu.memory_space<hbm>>
          %dma_wait3A_290 = tpu.memref_squeeze %dma_wait3A_289 : memref<1x2x16x8x128xf32, #tpu.memory_space<hbm>> -> memref<2x16x8x128xf32, #tpu.memory_space<hbm>>
          %dma_wait3A_291 = arith.constant 0 : i32
          %dma_wait3A_292 = arith.constant 0 : i32
          %dma_wait3A_293 = arith.constant 0 : i32
          %dma_wait3A_294 = arith.constant 0 : i32
          %dma_wait3A_295 = tpu.memref_slice %arg5[%dma_wait3A_291, %dma_wait3A_292, %dma_wait3A_293, %dma_wait3A_294] : memref<2x31x8x128xf32, #tpu.memory_space<vmem>> -> memref<2x16x8x128xf32, #tpu.memory_space<vmem>>
          tpu.wait_dma2 semaphore(%arg6 : memref<!tpu.dma_semaphore, #tpu.memory_space<semaphore_mem>>) src(%dma_wait3A_295 : memref<2x16x8x128xf32, #tpu.memory_space<vmem>>) dst(%dma_wait3A_290 : memref<2x16x8x128xf32, #tpu.memory_space<hbm>>)
        } else {
        }
      }
      %scan3A_246 = arith.constant 31 : i32
    }
    %scan3A_9 = arith.constant 4 : i32
    %dma_wait3A = arith.constant 0 : i32
    %dma_wait3A_10 = arith.constant 0 : i32
    %dma_wait3A_11 = arith.constant 0 : i32
    %dma_wait3A_12 = arith.constant 0 : i32
    %dma_wait3A_13 = arith.constant 0 : i32
    %dma_wait3A_14 = tpu.memref_slice %arg5[%dma_wait3A_10, %dma_wait3A_11, %dma_wait3A_12, %dma_wait3A_13] : memref<2x31x8x128xf32, #tpu.memory_space<vmem>> -> memref<2x16x8x128xf32, #tpu.memory_space<vmem>>
    %dma_wait3A_15 = arith.constant 0 : i32
    %dma_wait3A_16 = arith.constant 0 : i32
    %dma_wait3A_17 = arith.constant 0 : i32
    %dma_wait3A_18 = arith.constant 0 : i32
    %dma_wait3A_19 = tpu.memref_slice %arg3[%dma_wait3A, %dma_wait3A_15, %dma_wait3A_16, %dma_wait3A_17, %dma_wait3A_18] : memref<2048x2x16x8x128xf32, #tpu.memory_space<hbm>> -> memref<1x2x16x8x128xf32, #tpu.memory_space<hbm>>
    %dma_wait3A_20 = tpu.memref_squeeze %dma_wait3A_19 : memref<1x2x16x8x128xf32, #tpu.memory_space<hbm>> -> memref<2x16x8x128xf32, #tpu.memory_space<hbm>>
    %dma_wait3A_21 = arith.constant 0 : i32
    %dma_wait3A_22 = arith.constant 0 : i32
    %dma_wait3A_23 = arith.constant 0 : i32
    %dma_wait3A_24 = arith.constant 0 : i32
    %dma_wait3A_25 = tpu.memref_slice %arg3[%dma_wait3A, %dma_wait3A_21, %dma_wait3A_22, %dma_wait3A_23, %dma_wait3A_24] : memref<2048x2x16x8x128xf32, #tpu.memory_space<hbm>> -> memref<1x2x16x8x128xf32, #tpu.memory_space<hbm>>
    %dma_wait3A_26 = tpu.memref_squeeze %dma_wait3A_25 : memref<1x2x16x8x128xf32, #tpu.memory_space<hbm>> -> memref<2x16x8x128xf32, #tpu.memory_space<hbm>>
    %dma_wait3A_27 = arith.constant 0 : i32
    %dma_wait3A_28 = arith.constant 0 : i32
    %dma_wait3A_29 = arith.constant 0 : i32
    %dma_wait3A_30 = arith.constant 0 : i32
    %dma_wait3A_31 = tpu.memref_slice %arg5[%dma_wait3A_27, %dma_wait3A_28, %dma_wait3A_29, %dma_wait3A_30] : memref<2x31x8x128xf32, #tpu.memory_space<vmem>> -> memref<2x16x8x128xf32, #tpu.memory_space<vmem>>
    tpu.wait_dma2 semaphore(%arg6 : memref<!tpu.dma_semaphore, #tpu.memory_space<semaphore_mem>>) src(%dma_wait3A_31 : memref<2x16x8x128xf32, #tpu.memory_space<vmem>>) dst(%dma_wait3A_26 : memref<2x16x8x128xf32, #tpu.memory_space<hbm>>)
    %dma_wait3A_32 = arith.constant 0 : i32
    %dma_wait3A_33 = arith.constant 0 : i32
    %dma_wait3A_34 = arith.constant 0 : i32
    %dma_wait3A_35 = arith.constant 0 : i32
    %dma_wait3A_36 = arith.constant 0 : i32
    %dma_wait3A_37 = tpu.memref_slice %arg5[%dma_wait3A_33, %dma_wait3A_34, %dma_wait3A_35, %dma_wait3A_36] : memref<2x31x8x128xf32, #tpu.memory_space<vmem>> -> memref<2x16x8x128xf32, #tpu.memory_space<vmem>>
    %dma_wait3A_38 = arith.constant 0 : i32
    %dma_wait3A_39 = arith.constant 0 : i32
    %dma_wait3A_40 = arith.constant 0 : i32
    %dma_wait3A_41 = arith.constant 0 : i32
    %dma_wait3A_42 = tpu.memref_slice %arg3[%dma_wait3A_32, %dma_wait3A_38, %dma_wait3A_39, %dma_wait3A_40, %dma_wait3A_41] : memref<2048x2x16x8x128xf32, #tpu.memory_space<hbm>> -> memref<1x2x16x8x128xf32, #tpu.memory_space<hbm>>
    %dma_wait3A_43 = tpu.memref_squeeze %dma_wait3A_42 : memref<1x2x16x8x128xf32, #tpu.memory_space<hbm>> -> memref<2x16x8x128xf32, #tpu.memory_space<hbm>>
    %dma_wait3A_44 = arith.constant 0 : i32
    %dma_wait3A_45 = arith.constant 0 : i32
    %dma_wait3A_46 = arith.constant 0 : i32
    %dma_wait3A_47 = arith.constant 0 : i32
    %dma_wait3A_48 = tpu.memref_slice %arg3[%dma_wait3A_32, %dma_wait3A_44, %dma_wait3A_45, %dma_wait3A_46, %dma_wait3A_47] : memref<2048x2x16x8x128xf32, #tpu.memory_space<hbm>> -> memref<1x2x16x8x128xf32, #tpu.memory_space<hbm>>
    %dma_wait3A_49 = tpu.memref_squeeze %dma_wait3A_48 : memref<1x2x16x8x128xf32, #tpu.memory_space<hbm>> -> memref<2x16x8x128xf32, #tpu.memory_space<hbm>>
    %dma_wait3A_50 = arith.constant 0 : i32
    %dma_wait3A_51 = arith.constant 0 : i32
    %dma_wait3A_52 = arith.constant 0 : i32
    %dma_wait3A_53 = arith.constant 0 : i32
    %dma_wait3A_54 = tpu.memref_slice %arg5[%dma_wait3A_50, %dma_wait3A_51, %dma_wait3A_52, %dma_wait3A_53] : memref<2x31x8x128xf32, #tpu.memory_space<vmem>> -> memref<2x16x8x128xf32, #tpu.memory_space<vmem>>
    tpu.wait_dma2 semaphore(%arg6 : memref<!tpu.dma_semaphore, #tpu.memory_space<semaphore_mem>>) src(%dma_wait3A_54 : memref<2x16x8x128xf32, #tpu.memory_space<vmem>>) dst(%dma_wait3A_49 : memref<2x16x8x128xf32, #tpu.memory_space<hbm>>)
    %dma_wait3A_55 = arith.constant 0 : i32
    %dma_wait3A_56 = arith.constant 0 : i32
    %dma_wait3A_57 = arith.constant 0 : i32
    %dma_wait3A_58 = arith.constant 0 : i32
    %dma_wait3A_59 = arith.constant 0 : i32
    %dma_wait3A_60 = tpu.memref_slice %arg5[%dma_wait3A_56, %dma_wait3A_57, %dma_wait3A_58, %dma_wait3A_59] : memref<2x31x8x128xf32, #tpu.memory_space<vmem>> -> memref<2x16x8x128xf32, #tpu.memory_space<vmem>>
    %dma_wait3A_61 = arith.constant 0 : i32
    %dma_wait3A_62 = arith.constant 0 : i32
    %dma_wait3A_63 = arith.constant 0 : i32
    %dma_wait3A_64 = arith.constant 0 : i32
    %dma_wait3A_65 = tpu.memref_slice %arg3[%dma_wait3A_55, %dma_wait3A_61, %dma_wait3A_62, %dma_wait3A_63, %dma_wait3A_64] : memref<2048x2x16x8x128xf32, #tpu.memory_space<hbm>> -> memref<1x2x16x8x128xf32, #tpu.memory_space<hbm>>
    %dma_wait3A_66 = tpu.memref_squeeze %dma_wait3A_65 : memref<1x2x16x8x128xf32, #tpu.memory_space<hbm>> -> memref<2x16x8x128xf32, #tpu.memory_space<hbm>>
    %dma_wait3A_67 = arith.constant 0 : i32
    %dma_wait3A_68 = arith.constant 0 : i32
    %dma_wait3A_69 = arith.constant 0 : i32
    %dma_wait3A_70 = arith.constant 0 : i32
    %dma_wait3A_71 = tpu.memref_slice %arg3[%dma_wait3A_55, %dma_wait3A_67, %dma_wait3A_68, %dma_wait3A_69, %dma_wait3A_70] : memref<2048x2x16x8x128xf32, #tpu.memory_space<hbm>> -> memref<1x2x16x8x128xf32, #tpu.memory_space<hbm>>
    %dma_wait3A_72 = tpu.memref_squeeze %dma_wait3A_71 : memref<1x2x16x8x128xf32, #tpu.memory_space<hbm>> -> memref<2x16x8x128xf32, #tpu.memory_space<hbm>>
    %dma_wait3A_73 = arith.constant 0 : i32
    %dma_wait3A_74 = arith.constant 0 : i32
    %dma_wait3A_75 = arith.constant 0 : i32
    %dma_wait3A_76 = arith.constant 0 : i32
    %dma_wait3A_77 = tpu.memref_slice %arg5[%dma_wait3A_73, %dma_wait3A_74, %dma_wait3A_75, %dma_wait3A_76] : memref<2x31x8x128xf32, #tpu.memory_space<vmem>> -> memref<2x16x8x128xf32, #tpu.memory_space<vmem>>
    tpu.wait_dma2 semaphore(%arg6 : memref<!tpu.dma_semaphore, #tpu.memory_space<semaphore_mem>>) src(%dma_wait3A_77 : memref<2x16x8x128xf32, #tpu.memory_space<vmem>>) dst(%dma_wait3A_72 : memref<2x16x8x128xf32, #tpu.memory_space<hbm>>)
    %dma_wait3A_78 = arith.constant 0 : i32
    %dma_wait3A_79 = arith.constant 0 : i32
    %dma_wait3A_80 = arith.constant 0 : i32
    %dma_wait3A_81 = arith.constant 0 : i32
    %dma_wait3A_82 = arith.constant 0 : i32
    %dma_wait3A_83 = tpu.memref_slice %arg5[%dma_wait3A_79, %dma_wait3A_80, %dma_wait3A_81, %dma_wait3A_82] : memref<2x31x8x128xf32, #tpu.memory_space<vmem>> -> memref<2x16x8x128xf32, #tpu.memory_space<vmem>>
    %dma_wait3A_84 = arith.constant 0 : i32
    %dma_wait3A_85 = arith.constant 0 : i32
    %dma_wait3A_86 = arith.constant 0 : i32
    %dma_wait3A_87 = arith.constant 0 : i32
    %dma_wait3A_88 = tpu.memref_slice %arg3[%dma_wait3A_78, %dma_wait3A_84, %dma_wait3A_85, %dma_wait3A_86, %dma_wait3A_87] : memref<2048x2x16x8x128xf32, #tpu.memory_space<hbm>> -> memref<1x2x16x8x128xf32, #tpu.memory_space<hbm>>
    %dma_wait3A_89 = tpu.memref_squeeze %dma_wait3A_88 : memref<1x2x16x8x128xf32, #tpu.memory_space<hbm>> -> memref<2x16x8x128xf32, #tpu.memory_space<hbm>>
    %dma_wait3A_90 = arith.constant 0 : i32
    %dma_wait3A_91 = arith.constant 0 : i32
    %dma_wait3A_92 = arith.constant 0 : i32
    %dma_wait3A_93 = arith.constant 0 : i32
    %dma_wait3A_94 = tpu.memref_slice %arg3[%dma_wait3A_78, %dma_wait3A_90, %dma_wait3A_91, %dma_wait3A_92, %dma_wait3A_93] : memref<2048x2x16x8x128xf32, #tpu.memory_space<hbm>> -> memref<1x2x16x8x128xf32, #tpu.memory_space<hbm>>
    %dma_wait3A_95 = tpu.memref_squeeze %dma_wait3A_94 : memref<1x2x16x8x128xf32, #tpu.memory_space<hbm>> -> memref<2x16x8x128xf32, #tpu.memory_space<hbm>>
    %dma_wait3A_96 = arith.constant 0 : i32
    %dma_wait3A_97 = arith.constant 0 : i32
    %dma_wait3A_98 = arith.constant 0 : i32
    %dma_wait3A_99 = arith.constant 0 : i32
    %dma_wait3A_100 = tpu.memref_slice %arg5[%dma_wait3A_96, %dma_wait3A_97, %dma_wait3A_98, %dma_wait3A_99] : memref<2x31x8x128xf32, #tpu.memory_space<vmem>> -> memref<2x16x8x128xf32, #tpu.memory_space<vmem>>
    tpu.wait_dma2 semaphore(%arg6 : memref<!tpu.dma_semaphore, #tpu.memory_space<semaphore_mem>>) src(%dma_wait3A_100 : memref<2x16x8x128xf32, #tpu.memory_space<vmem>>) dst(%dma_wait3A_95 : memref<2x16x8x128xf32, #tpu.memory_space<hbm>>)
    %dma_wait3A_101 = arith.constant 0 : i32
    %dma_wait3A_102 = arith.constant 0 : i32
    %dma_wait3A_103 = arith.constant 0 : i32
    %dma_wait3A_104 = arith.constant 0 : i32
    %dma_wait3A_105 = arith.constant 0 : i32
    %dma_wait3A_106 = tpu.memref_slice %arg5[%dma_wait3A_102, %dma_wait3A_103, %dma_wait3A_104, %dma_wait3A_105] : memref<2x31x8x128xf32, #tpu.memory_space<vmem>> -> memref<2x16x8x128xf32, #tpu.memory_space<vmem>>
    %dma_wait3A_107 = arith.constant 0 : i32
    %dma_wait3A_108 = arith.constant 0 : i32
    %dma_wait3A_109 = arith.constant 0 : i32
    %dma_wait3A_110 = arith.constant 0 : i32
    %dma_wait3A_111 = tpu.memref_slice %arg3[%dma_wait3A_101, %dma_wait3A_107, %dma_wait3A_108, %dma_wait3A_109, %dma_wait3A_110] : memref<2048x2x16x8x128xf32, #tpu.memory_space<hbm>> -> memref<1x2x16x8x128xf32, #tpu.memory_space<hbm>>
    %dma_wait3A_112 = tpu.memref_squeeze %dma_wait3A_111 : memref<1x2x16x8x128xf32, #tpu.memory_space<hbm>> -> memref<2x16x8x128xf32, #tpu.memory_space<hbm>>
    %dma_wait3A_113 = arith.constant 0 : i32
    %dma_wait3A_114 = arith.constant 0 : i32
    %dma_wait3A_115 = arith.constant 0 : i32
    %dma_wait3A_116 = arith.constant 0 : i32
    %dma_wait3A_117 = tpu.memref_slice %arg3[%dma_wait3A_101, %dma_wait3A_113, %dma_wait3A_114, %dma_wait3A_115, %dma_wait3A_116] : memref<2048x2x16x8x128xf32, #tpu.memory_space<hbm>> -> memref<1x2x16x8x128xf32, #tpu.memory_space<hbm>>
    %dma_wait3A_118 = tpu.memref_squeeze %dma_wait3A_117 : memref<1x2x16x8x128xf32, #tpu.memory_space<hbm>> -> memref<2x16x8x128xf32, #tpu.memory_space<hbm>>
    %dma_wait3A_119 = arith.constant 0 : i32
    %dma_wait3A_120 = arith.constant 0 : i32
    %dma_wait3A_121 = arith.constant 0 : i32
    %dma_wait3A_122 = arith.constant 0 : i32
    %dma_wait3A_123 = tpu.memref_slice %arg5[%dma_wait3A_119, %dma_wait3A_120, %dma_wait3A_121, %dma_wait3A_122] : memref<2x31x8x128xf32, #tpu.memory_space<vmem>> -> memref<2x16x8x128xf32, #tpu.memory_space<vmem>>
    tpu.wait_dma2 semaphore(%arg6 : memref<!tpu.dma_semaphore, #tpu.memory_space<semaphore_mem>>) src(%dma_wait3A_123 : memref<2x16x8x128xf32, #tpu.memory_space<vmem>>) dst(%dma_wait3A_118 : memref<2x16x8x128xf32, #tpu.memory_space<hbm>>)
    %dma_wait3A_124 = arith.constant 0 : i32
    %dma_wait3A_125 = arith.constant 0 : i32
    %dma_wait3A_126 = arith.constant 0 : i32
    %dma_wait3A_127 = arith.constant 0 : i32
    %dma_wait3A_128 = arith.constant 0 : i32
    %dma_wait3A_129 = tpu.memref_slice %arg5[%dma_wait3A_125, %dma_wait3A_126, %dma_wait3A_127, %dma_wait3A_128] : memref<2x31x8x128xf32, #tpu.memory_space<vmem>> -> memref<2x16x8x128xf32, #tpu.memory_space<vmem>>
    %dma_wait3A_130 = arith.constant 0 : i32
    %dma_wait3A_131 = arith.constant 0 : i32
    %dma_wait3A_132 = arith.constant 0 : i32
    %dma_wait3A_133 = arith.constant 0 : i32
    %dma_wait3A_134 = tpu.memref_slice %arg3[%dma_wait3A_124, %dma_wait3A_130, %dma_wait3A_131, %dma_wait3A_132, %dma_wait3A_133] : memref<2048x2x16x8x128xf32, #tpu.memory_space<hbm>> -> memref<1x2x16x8x128xf32, #tpu.memory_space<hbm>>
    %dma_wait3A_135 = tpu.memref_squeeze %dma_wait3A_134 : memref<1x2x16x8x128xf32, #tpu.memory_space<hbm>> -> memref<2x16x8x128xf32, #tpu.memory_space<hbm>>
    %dma_wait3A_136 = arith.constant 0 : i32
    %dma_wait3A_137 = arith.constant 0 : i32
    %dma_wait3A_138 = arith.constant 0 : i32
    %dma_wait3A_139 = arith.constant 0 : i32
    %dma_wait3A_140 = tpu.memref_slice %arg3[%dma_wait3A_124, %dma_wait3A_136, %dma_wait3A_137, %dma_wait3A_138, %dma_wait3A_139] : memref<2048x2x16x8x128xf32, #tpu.memory_space<hbm>> -> memref<1x2x16x8x128xf32, #tpu.memory_space<hbm>>
    %dma_wait3A_141 = tpu.memref_squeeze %dma_wait3A_140 : memref<1x2x16x8x128xf32, #tpu.memory_space<hbm>> -> memref<2x16x8x128xf32, #tpu.memory_space<hbm>>
    %dma_wait3A_142 = arith.constant 0 : i32
    %dma_wait3A_143 = arith.constant 0 : i32
    %dma_wait3A_144 = arith.constant 0 : i32
    %dma_wait3A_145 = arith.constant 0 : i32
    %dma_wait3A_146 = tpu.memref_slice %arg5[%dma_wait3A_142, %dma_wait3A_143, %dma_wait3A_144, %dma_wait3A_145] : memref<2x31x8x128xf32, #tpu.memory_space<vmem>> -> memref<2x16x8x128xf32, #tpu.memory_space<vmem>>
    tpu.wait_dma2 semaphore(%arg6 : memref<!tpu.dma_semaphore, #tpu.memory_space<semaphore_mem>>) src(%dma_wait3A_146 : memref<2x16x8x128xf32, #tpu.memory_space<vmem>>) dst(%dma_wait3A_141 : memref<2x16x8x128xf32, #tpu.memory_space<hbm>>)
    %dma_wait3A_147 = arith.constant 0 : i32
    %dma_wait3A_148 = arith.constant 0 : i32
    %dma_wait3A_149 = arith.constant 0 : i32
    %dma_wait3A_150 = arith.constant 0 : i32
    %dma_wait3A_151 = arith.constant 0 : i32
    %dma_wait3A_152 = tpu.memref_slice %arg5[%dma_wait3A_148, %dma_wait3A_149, %dma_wait3A_150, %dma_wait3A_151] : memref<2x31x8x128xf32, #tpu.memory_space<vmem>> -> memref<2x16x8x128xf32, #tpu.memory_space<vmem>>
    %dma_wait3A_153 = arith.constant 0 : i32
    %dma_wait3A_154 = arith.constant 0 : i32
    %dma_wait3A_155 = arith.constant 0 : i32
    %dma_wait3A_156 = arith.constant 0 : i32
    %dma_wait3A_157 = tpu.memref_slice %arg3[%dma_wait3A_147, %dma_wait3A_153, %dma_wait3A_154, %dma_wait3A_155, %dma_wait3A_156] : memref<2048x2x16x8x128xf32, #tpu.memory_space<hbm>> -> memref<1x2x16x8x128xf32, #tpu.memory_space<hbm>>
    %dma_wait3A_158 = tpu.memref_squeeze %dma_wait3A_157 : memref<1x2x16x8x128xf32, #tpu.memory_space<hbm>> -> memref<2x16x8x128xf32, #tpu.memory_space<hbm>>
    %dma_wait3A_159 = arith.constant 0 : i32
    %dma_wait3A_160 = arith.constant 0 : i32
    %dma_wait3A_161 = arith.constant 0 : i32
    %dma_wait3A_162 = arith.constant 0 : i32
    %dma_wait3A_163 = tpu.memref_slice %arg3[%dma_wait3A_147, %dma_wait3A_159, %dma_wait3A_160, %dma_wait3A_161, %dma_wait3A_162] : memref<2048x2x16x8x128xf32, #tpu.memory_space<hbm>> -> memref<1x2x16x8x128xf32, #tpu.memory_space<hbm>>
    %dma_wait3A_164 = tpu.memref_squeeze %dma_wait3A_163 : memref<1x2x16x8x128xf32, #tpu.memory_space<hbm>> -> memref<2x16x8x128xf32, #tpu.memory_space<hbm>>
    %dma_wait3A_165 = arith.constant 0 : i32
    %dma_wait3A_166 = arith.constant 0 : i32
    %dma_wait3A_167 = arith.constant 0 : i32
    %dma_wait3A_168 = arith.constant 0 : i32
    %dma_wait3A_169 = tpu.memref_slice %arg5[%dma_wait3A_165, %dma_wait3A_166, %dma_wait3A_167, %dma_wait3A_168] : memref<2x31x8x128xf32, #tpu.memory_space<vmem>> -> memref<2x16x8x128xf32, #tpu.memory_space<vmem>>
    tpu.wait_dma2 semaphore(%arg6 : memref<!tpu.dma_semaphore, #tpu.memory_space<semaphore_mem>>) src(%dma_wait3A_169 : memref<2x16x8x128xf32, #tpu.memory_space<vmem>>) dst(%dma_wait3A_164 : memref<2x16x8x128xf32, #tpu.memory_space<hbm>>)
    %dma_wait3A_170 = arith.constant 0 : i32
    %dma_wait3A_171 = arith.constant 0 : i32
    %dma_wait3A_172 = arith.constant 0 : i32
    %dma_wait3A_173 = arith.constant 0 : i32
    %dma_wait3A_174 = arith.constant 0 : i32
    %dma_wait3A_175 = tpu.memref_slice %arg5[%dma_wait3A_171, %dma_wait3A_172, %dma_wait3A_173, %dma_wait3A_174] : memref<2x31x8x128xf32, #tpu.memory_space<vmem>> -> memref<2x16x8x128xf32, #tpu.memory_space<vmem>>
    %dma_wait3A_176 = arith.constant 0 : i32
    %dma_wait3A_177 = arith.constant 0 : i32
    %dma_wait3A_178 = arith.constant 0 : i32
    %dma_wait3A_179 = arith.constant 0 : i32
    %dma_wait3A_180 = tpu.memref_slice %arg3[%dma_wait3A_170, %dma_wait3A_176, %dma_wait3A_177, %dma_wait3A_178, %dma_wait3A_179] : memref<2048x2x16x8x128xf32, #tpu.memory_space<hbm>> -> memref<1x2x16x8x128xf32, #tpu.memory_space<hbm>>
    %dma_wait3A_181 = tpu.memref_squeeze %dma_wait3A_180 : memref<1x2x16x8x128xf32, #tpu.memory_space<hbm>> -> memref<2x16x8x128xf32, #tpu.memory_space<hbm>>
    %dma_wait3A_182 = arith.constant 0 : i32
    %dma_wait3A_183 = arith.constant 0 : i32
    %dma_wait3A_184 = arith.constant 0 : i32
    %dma_wait3A_185 = arith.constant 0 : i32
    %dma_wait3A_186 = tpu.memref_slice %arg3[%dma_wait3A_170, %dma_wait3A_182, %dma_wait3A_183, %dma_wait3A_184, %dma_wait3A_185] : memref<2048x2x16x8x128xf32, #tpu.memory_space<hbm>> -> memref<1x2x16x8x128xf32, #tpu.memory_space<hbm>>
    %dma_wait3A_187 = tpu.memref_squeeze %dma_wait3A_186 : memref<1x2x16x8x128xf32, #tpu.memory_space<hbm>> -> memref<2x16x8x128xf32, #tpu.memory_space<hbm>>
    %dma_wait3A_188 = arith.constant 0 : i32
    %dma_wait3A_189 = arith.constant 0 : i32
    %dma_wait3A_190 = arith.constant 0 : i32
    %dma_wait3A_191 = arith.constant 0 : i32
    %dma_wait3A_192 = tpu.memref_slice %arg5[%dma_wait3A_188, %dma_wait3A_189, %dma_wait3A_190, %dma_wait3A_191] : memref<2x31x8x128xf32, #tpu.memory_space<vmem>> -> memref<2x16x8x128xf32, #tpu.memory_space<vmem>>
    tpu.wait_dma2 semaphore(%arg6 : memref<!tpu.dma_semaphore, #tpu.memory_space<semaphore_mem>>) src(%dma_wait3A_192 : memref<2x16x8x128xf32, #tpu.memory_space<vmem>>) dst(%dma_wait3A_187 : memref<2x16x8x128xf32, #tpu.memory_space<hbm>>)
    %dma_wait3A_193 = arith.constant 0 : i32
    %dma_wait3A_194 = arith.constant 0 : i32
    %dma_wait3A_195 = arith.constant 0 : i32
    %dma_wait3A_196 = arith.constant 0 : i32
    %dma_wait3A_197 = arith.constant 0 : i32
    %dma_wait3A_198 = tpu.memref_slice %arg5[%dma_wait3A_194, %dma_wait3A_195, %dma_wait3A_196, %dma_wait3A_197] : memref<2x31x8x128xf32, #tpu.memory_space<vmem>> -> memref<2x16x8x128xf32, #tpu.memory_space<vmem>>
    %dma_wait3A_199 = arith.constant 0 : i32
    %dma_wait3A_200 = arith.constant 0 : i32
    %dma_wait3A_201 = arith.constant 0 : i32
    %dma_wait3A_202 = arith.constant 0 : i32
    %dma_wait3A_203 = tpu.memref_slice %arg3[%dma_wait3A_193, %dma_wait3A_199, %dma_wait3A_200, %dma_wait3A_201, %dma_wait3A_202] : memref<2048x2x16x8x128xf32, #tpu.memory_space<hbm>> -> memref<1x2x16x8x128xf32, #tpu.memory_space<hbm>>
    %dma_wait3A_204 = tpu.memref_squeeze %dma_wait3A_203 : memref<1x2x16x8x128xf32, #tpu.memory_space<hbm>> -> memref<2x16x8x128xf32, #tpu.memory_space<hbm>>
    %dma_wait3A_205 = arith.constant 0 : i32
    %dma_wait3A_206 = arith.constant 0 : i32
    %dma_wait3A_207 = arith.constant 0 : i32
    %dma_wait3A_208 = arith.constant 0 : i32
    %dma_wait3A_209 = tpu.memref_slice %arg3[%dma_wait3A_193, %dma_wait3A_205, %dma_wait3A_206, %dma_wait3A_207, %dma_wait3A_208] : memref<2048x2x16x8x128xf32, #tpu.memory_space<hbm>> -> memref<1x2x16x8x128xf32, #tpu.memory_space<hbm>>
    %dma_wait3A_210 = tpu.memref_squeeze %dma_wait3A_209 : memref<1x2x16x8x128xf32, #tpu.memory_space<hbm>> -> memref<2x16x8x128xf32, #tpu.memory_space<hbm>>
    %dma_wait3A_211 = arith.constant 0 : i32
    %dma_wait3A_212 = arith.constant 0 : i32
    %dma_wait3A_213 = arith.constant 0 : i32
    %dma_wait3A_214 = arith.constant 0 : i32
    %dma_wait3A_215 = tpu.memref_slice %arg5[%dma_wait3A_211, %dma_wait3A_212, %dma_wait3A_213, %dma_wait3A_214] : memref<2x31x8x128xf32, #tpu.memory_space<vmem>> -> memref<2x16x8x128xf32, #tpu.memory_space<vmem>>
    tpu.wait_dma2 semaphore(%arg6 : memref<!tpu.dma_semaphore, #tpu.memory_space<semaphore_mem>>) src(%dma_wait3A_215 : memref<2x16x8x128xf32, #tpu.memory_space<vmem>>) dst(%dma_wait3A_210 : memref<2x16x8x128xf32, #tpu.memory_space<hbm>>)
    %dma_wait3A_216 = arith.constant 0 : i32
    %dma_wait3A_217 = arith.constant 0 : i32
    %dma_wait3A_218 = arith.constant 0 : i32
    %dma_wait3A_219 = arith.constant 0 : i32
    %dma_wait3A_220 = arith.constant 0 : i32
    %dma_wait3A_221 = tpu.memref_slice %arg5[%dma_wait3A_217, %dma_wait3A_218, %dma_wait3A_219, %dma_wait3A_220] : memref<2x31x8x128xf32, #tpu.memory_space<vmem>> -> memref<2x16x8x128xf32, #tpu.memory_space<vmem>>
    %dma_wait3A_222 = arith.constant 0 : i32
    %dma_wait3A_223 = arith.constant 0 : i32
    %dma_wait3A_224 = arith.constant 0 : i32
    %dma_wait3A_225 = arith.constant 0 : i32
    %dma_wait3A_226 = tpu.memref_slice %arg3[%dma_wait3A_216, %dma_wait3A_222, %dma_wait3A_223, %dma_wait3A_224, %dma_wait3A_225] : memref<2048x2x16x8x128xf32, #tpu.memory_space<hbm>> -> memref<1x2x16x8x128xf32, #tpu.memory_space<hbm>>
    %dma_wait3A_227 = tpu.memref_squeeze %dma_wait3A_226 : memref<1x2x16x8x128xf32, #tpu.memory_space<hbm>> -> memref<2x16x8x128xf32, #tpu.memory_space<hbm>>
    %dma_wait3A_228 = arith.constant 0 : i32
    %dma_wait3A_229 = arith.constant 0 : i32
    %dma_wait3A_230 = arith.constant 0 : i32
    %dma_wait3A_231 = arith.constant 0 : i32
    %dma_wait3A_232 = tpu.memref_slice %arg3[%dma_wait3A_216, %dma_wait3A_228, %dma_wait3A_229, %dma_wait3A_230, %dma_wait3A_231] : memref<2048x2x16x8x128xf32, #tpu.memory_space<hbm>> -> memref<1x2x16x8x128xf32, #tpu.memory_space<hbm>>
    %dma_wait3A_233 = tpu.memref_squeeze %dma_wait3A_232 : memref<1x2x16x8x128xf32, #tpu.memory_space<hbm>> -> memref<2x16x8x128xf32, #tpu.memory_space<hbm>>
    %dma_wait3A_234 = arith.constant 0 : i32
    %dma_wait3A_235 = arith.constant 0 : i32
    %dma_wait3A_236 = arith.constant 0 : i32
    %dma_wait3A_237 = arith.constant 0 : i32
    %dma_wait3A_238 = tpu.memref_slice %arg5[%dma_wait3A_234, %dma_wait3A_235, %dma_wait3A_236, %dma_wait3A_237] : memref<2x31x8x128xf32, #tpu.memory_space<vmem>> -> memref<2x16x8x128xf32, #tpu.memory_space<vmem>>
    tpu.wait_dma2 semaphore(%arg6 : memref<!tpu.dma_semaphore, #tpu.memory_space<semaphore_mem>>) src(%dma_wait3A_238 : memref<2x16x8x128xf32, #tpu.memory_space<vmem>>) dst(%dma_wait3A_233 : memref<2x16x8x128xf32, #tpu.memory_space<hbm>>)
    return
  }
}

</mosaic_0001>

<sc_bundles>
// kernel: _rpe.3.cloned.1.call-start
scs
__scs_entry_jumppad:
0x0: {  	(pc) =	sbr.rel $0x88, $3  }
0x1: {  	(tag) =	ssettag $0x0;
	lr =	simm.s32 $0x1  }
0x2: {  	[smem:$0x3FA0] =	sst lr;
	_ =	strace $0xD0000000  }
0x3: {  	_ = 	snop  }
0x4: {  	_ = 	snop  }
0x5: {  	_ = 	snop  }
0x6: {  	_ = 	snop  }
0x7: {  	_ = 	snop  }
__scs_overlays_trampoline_lowered:
0x8: {  	[smem:$0x3FAF] =	sst s0  }
0x9: {  	[smem:$0x3FB0] =	sst s1  }
0xa: {  	[smem:$0x3FB1] =	sst s2  }
0xb: {  	[smem:$0x3FB2] =	sst s3  }
0xc: {  	[smem:$0x3FB3] =	sst s4  }
0xd: {  	[smem:$0x3FB4] =	sst s5  }
0xe: {  	[smem:$0x3FB5] =	sst s6  }
0xf: {  	[smem:$0x3FB6] =	sst s7  }
0x10: {  	[smem:$0x3FB7] =	sst s8  }
0x11: {  	[smem:$0x3FB8] =	sst s9;
	s0 =	simm.s32 @!p0 $0x0  }
0x12: {  	s1 =	sld [smem:$0x3F9E];
	s0 =	simm.s32 @p0 $0x1  }
0x13: {  	[smem:$0x3FB9] =	sst s0;
	s0 =	simm.s32 @!p1 $0x0  }
0x14: {  	s2 =	sld [smem:$0x3F9D];
	s0 =	simm.s32 @p1 $0x1  }
0x15: {  	[smem:$0x3FBA] =	sst s0;
	s0 =	simm.s32 @!p2 $0x0  }
0x16: {  	s3 =	sld [smem:$0x3FDB];
	s0 =	simm.s32 @p2 $0x1  }
0x17: {  	s4 =	simm.s32 $0x1BF5;
	[smem:$0x3FBC] =	sst s0  }
0x18: {  	s0 =	sld [smem:$0x3F9F];
	_ =	swait.ge [sflag:s4], $0x0  }
0x19: {  	s7 =	sld [smem:$0x3FA0]  }
0x1a: {  	s8 =	sadd.s32 $0xFFFFE003, lr  }
0x1b: {  	s9 =	sadd.s32 $0xFFFFFEF7, lr;
	s5 =	simm.s32 $0xFFFFFFFF;
	p2 =	slt.u32 s8, $0xFFFFF086  }
0x1c: {  	p1 =	slt.u32 s9, $0xF7A;
	s5 =	simm.s32 @!p2 $0x0  }
0x1d: {  	s5 =	simm.s32 @p1 $0x1;
	p0 =	seq.s32 s7, s2  }
0x1e: {  	s7 =	smul.u32 @!p0 $0xF7A, s2;
	p2 =	seq.s32 @!p0 s5, $0x0  }
0x1f: {  	s9 =	smul.u32 $0xF7A, s1;
	s8 =	simm.s32 @!p0 $0x1BF5;
	p2 =	por !p2, p0  }
0x20: {  	[sflag:s8] =	ssyncset.s32 @!p0 $0xFFFFF086;
	s6 =	sadd.s32 @!p0 s3, s7;
	s7 =	simm.s32 @!p0 $0x108  }
0x21: {  	s3 =	sadd.s32 s3, s9;
	s6 =	sadd.s32 @!p0 $0x88, s6;
	s7 =	simm.s32 @p2 $0x1082  }
0x22: {  	[simem:s7], [sflag:s8] =	dma.local @!p0 [hbm:s6], $0xF7A  }
0x23: {  	s9 =	sor.u32 $0xD0000000, s2;
	s6 =	simm.s32 $0x108;
	_ =	swait.ge @!p0 [sflag:s8], $0x0  }
0x24: {  	s3 =	sadd.s32 $0x88, s3;
	s6 =	simm.s32 @!p1 $0x1082;
	[sflag:s4] =	ssyncset.s32 $0xFFFFF086  }
0x25: {  	[simem:s6], [sflag:s4] =	dma.local [hbm:s3], $0xF7A  }
0x26: {  	[smem:$0x3FA0] =	sst s1;
	(tag) =	ssettag s2;
	_ =	strace s9  }
0x27: {  	s1 =	sld [smem:$0x3FB0]  }
0x28: {  	s2 =	sld [smem:$0x3FB1]  }
0x29: {  	s4 =	sld [smem:$0x3FB3]  }
0x2a: {  	p0 =	seq.s32 s5, $0x0;
	s5 =	sld [smem:$0x3FB4]  }
0x2b: {  	s6 =	sld [smem:$0x3FB5]  }
0x2c: {  	s7 =	sld [smem:$0x3FB6]  }
0x2d: {  	s3 =	simm.s32 $0x108;
	s8 =	sld [smem:$0x3FB7]  }
0x2e: {  	s3 =	simm.s32 @!p0 $0x1082;
	s9 =	sld [smem:$0x3FB8]  }
0x2f: {  	lr =	sadd.s32 s0, s3;
	s0 =	sld [smem:$0x3FAF]  }
0x30: {  	s3 =	sld [smem:$0x3FB2]  }
0x31: {  	[smem:$0x3FBB] =	sst s10  }
0x32: {  	s10 =	sld [smem:$0x3FB9];
	_ =	sdelay $0x3  }
0x33: {  	p0 =	seq.s32 s10, $0x1;
	s10 =	sld [smem:$0x3FBB];
	_ =	sdelay $0x3  }
0x34: {  	[smem:$0x3FBB] =	sst s10  }
0x35: {  	s10 =	sld [smem:$0x3FBA];
	_ =	sdelay $0x3  }
0x36: {  	p1 =	seq.s32 s10, $0x1;
	s10 =	sld [smem:$0x3FBB];
	_ =	sdelay $0x3  }
0x37: {  	[smem:$0x3FBB] =	sst s10  }
0x38: {  	s10 =	sld [smem:$0x3FBC]  }
0x39: {  	_ = 	snop;
	(pc) =	sbr.ind lr, $3  }
0x3a: {  	_ = 	snop  }
0x3b: {  	_ = 	snop  }
0x3c: {  	p2 =	seq.s32 s10, $0x1;
	s10 =	sld [smem:$0x3FBB]  }
0x3d: {  	_ =	shalt  }
0x3e: {  	_ =	shalt  }
0x3f: {  	_ =	shalt  }
0x40: {  	_ =	shalt  }
0x41: {  	_ =	shalt  }
0x42: {  	_ =	shalt  }
0x43: {  	_ =	shalt  }
0x44: {  	_ =	shalt  }
0x45: {  	_ =	shalt  }
0x46: {  	_ =	shalt  }
0x47: {  	_ =	shalt  }
0x48: {  	_ =	shalt  }
0x49: {  	_ =	shalt  }
0x4a: {  	_ =	shalt  }
0x4b: {  	_ =	shalt  }
0x4c: {  	_ =	shalt  }
0x4d: {  	_ =	shalt  }
0x4e: {  	_ =	shalt  }
0x4f: {  	_ =	shalt  }
0x50: {  	_ =	shalt  }
0x51: {  	_ =	shalt  }
0x52: {  	_ =	shalt  }
0x53: {  	_ =	shalt  }
0x54: {  	_ =	shalt  }
0x55: {  	_ =	shalt  }
0x56: {  	_ =	shalt  }
0x57: {  	_ =	shalt  }
0x58: {  	_ =	shalt  }
0x59: {  	_ =	shalt  }
0x5a: {  	_ =	shalt  }
0x5b: {  	_ =	shalt  }
0x5c: {  	_ =	shalt  }
0x5d: {  	_ =	shalt  }
0x5e: {  	_ =	shalt  }
0x5f: {  	_ =	shalt  }
0x60: {  	_ =	shalt  }
0x61: {  	_ =	shalt  }
0x62: {  	_ =	shalt  }
0x63: {  	_ =	shalt  }
0x64: {  	_ =	shalt  }
0x65: {  	_ =	shalt  }
0x66: {  	_ =	shalt  }
0x67: {  	_ =	shalt  }
0x68: {  	_ =	shalt  }
0x69: {  	_ =	shalt  }
0x6a: {  	_ =	shalt  }
0x6b: {  	_ =	shalt  }
0x6c: {  	_ =	shalt  }
0x6d: {  	_ =	shalt  }
0x6e: {  	_ =	shalt  }
0x6f: {  	_ =	shalt  }
0x70: {  	_ =	shalt  }
0x71: {  	_ =	shalt  }
0x72: {  	_ =	shalt  }
0x73: {  	_ =	shalt  }
0x74: {  	_ =	shalt  }
0x75: {  	_ =	shalt  }
0x76: {  	_ =	shalt  }
0x77: {  	_ =	shalt  }
0x78: {  	_ =	shalt  }
0x79: {  	_ =	shalt  }
0x7a: {  	_ =	shalt  }
0x7b: {  	_ =	shalt  }
0x7c: {  	_ =	shalt  }
0x7d: {  	_ =	shalt  }
0x7e: {  	_ =	shalt  }
0x7f: {  	_ =	shalt  }
0x80: {  	_ =	shalt  }
0x81: {  	_ =	shalt  }
0x82: {  	_ =	shalt  }
0x83: {  	_ =	shalt  }
0x84: {  	_ =	shalt  }
0x85: {  	_ =	shalt  }
0x86: {  	_ =	shalt  }
0x87: {  	_ =	shalt  }
.Lfunc_end0:
.L_simem_size_0:
called_computation_lowered:
.L_overlay_start_0:
0x88: {  	s2 =	sld [smem:$0x3FD9]  }
0x89: {  	s3 =	sld [smem:$0x3FFE];
	_ =	sdelay $0x1  }
0x8a: {  	s1 =	srdreg.scid  }
0x8b: {  	s0 =	sand.u32 $0x1, s1  }
0x8c: {  	s17 =	sshll.u32 s0, $0xA;
	s2 =	sadd.s32 s3, s2  }
0x8d: {  	s2 =	sadd.s32 s2, s17  }
0x8e: {  	[smem:$0x3FC7] =	sst s2  }
0x8f: {  	_ = 	snop  }
0x90: {  	s2 =	sld [smem:$0x3FD0];
	(tm) =	ssettm $0x1  }
0x91: {  	s18 =	sld [smem:$0x3FFB];
	_ =	sdelay $0x3  }
0x92: {  	_ =	strace s18  }
0x93: {  	s3 =	sld [smem:$0x3FFC];
	_ =	sdelay $0x3  }
0x94: {  	_ =	strace s3  }
0x95: {  	s3 =	sld [smem:$0x3FFD];
	_ =	sdelay $0x3  }
0x96: {  	_ =	strace s3  }
0x97: {  	_ =	strace $0x8FFFFFFF  }
0x98: {  	s19 =	sld [smem:$0x3FDB];
	_ =	sdelay $0x1  }
0x99: {  	s4 =	simm.s32 $_scs_section_size  }
0x9a: {  	s5 =	simm.s32 $_size__tile_overlayer_lowered;
	s6 =	simm.s32 $_tile_overlayer_lowered  }
0x9b: {  	s22 =	simm.s32 $0x1BFF;
	s21 =	sshll.u32 s6, $0x1;
	s3 =	sadd.s32 s4, s19  }
0x9c: {  	s7 =	simm.s32 $0x0;
	s20 =	sshll.u32 s5, $0x1;
	s5 =	sadd.s32 s21, s3  }
0x9d: {  	[timem:s7], [sflag:s22] =	dma.local [hbm:s5], s20  }
0x9e: {  	_ =	swait.ge [sflag:s22], s20  }
0x9f: {  	s4 =	ssub.s32 $0x0, s20;
	[sflag:s22] =	ssyncset.done $0x0  }
0xa0: {  	[sflag:s22] =	ssyncadd.s32 s4;
	_ =	sdelay $0x1  }
0xa1: {  	s23 =	simm.s32 $0x1B8B  }
0xa2: {  	_ =	swait.ge [sflag:s23], $0x1  }
0xa3: {  	[sflag:s23] =	ssyncset.done $0x0  }
0xa4: {  	s25 =	simm.s32 $0x1B8E;
	s24 =	sld [smem:$0x3FFE];
	[sflag:s23] =	ssyncadd.s32 $0xFFFFFFFF  }
0xa5: {  	s26 =	simm.s32 $execute0_lowered;
	[smem:$0x3FD2] =	sst s25  }
0xa6: {  	s5 =	sshll.u32 s26, $0x1;
	_ =	strace $0x80000046;
	[dreg:$0x1] =	wrdreg $0xFFFFFFFF  }
0xa7: {  	s28 =	simm.s32 $_size_execute0_lowered;
	s3 =	sadd.s32 s3, s5;
	[dreg:$0x0] =	wrdreg $0x0  }
0xa8: {  	s5 =	sshll.u32 s28, $0x1;
	[dreg:$0x2] =	wrdreg s3  }
0xa9: {  	[dreg:$0x3] =	wrdreg s5  }
0xaa: {  	[dreg:$0x4] =	wrdreg $0xC0  }
0xab: {  	_ =	task [dreg:s7], $0x5FFFF  }
0xac: {  	[dreg:$0x1] =	wrdreg $0xFFFFFFFF  }
0xad: {  	[dreg:$0x0] =	wrdreg $0x60  }
0xae: {  	[dreg:$0x2] =	wrdreg s24  }
0xaf: {  	[dreg:$0x3] =	wrdreg s2  }
0xb0: {  	[dreg:$0x4] =	wrdreg $0x9  }
0xb1: {  	_ =	task.clear_ibuf [dreg:s7], $0x5FFFF;
	_ =	strace $0x90000046  }
0xb2: {  	s29 =	simm.s32 $0x9;
	_ =	strace $0x80000048  }
0xb3: {  	_ =	swait.ge [sflag:s29], $0x1  }
0xb4: {  	[sflag:s29] =	ssyncadd.s32 $0xFFFFFFFF  }
0xb5: {  	_ =	strace $0x90000048  }
0xb6: {  	_ =	sfence  }
0xb7: {  	s30 =	sld [smem:$0x0];
	_ =	sdelay $0x2  }
0xb8: {  	s31 =	sshll.u32 s1, $0xD;
	s1 =	sshrl.u32 s1, $0x2  }
0xb9: {  	s3 =	sand.u32 $0x4000, s31;
	s1 =	sadd.s32 s1, s30  }
0xba: {  	s0 =	sor.u32 s3, s0;
	s1 =	sshll.u32 s1, $0x11  }
0xbb: {  	s0 =	sor.u32 s1, s0  }
0xbc: {  	s0 =	sadd.s32 $0x8F2B, s0  }
0xbd: {  	[sflag:s0] =	ssyncadd.remote.s32 $0x1  }
0xbe: {  	_ =	sfence.sel $0xFFFF  }
0xbf: {  	[dreg:$0x0] =	wrdreg $0xFFFFFFFF;
	(pc) =	sbr.abs _section_cstart, $3  }
0xc0: {  	[dreg:$0x1] =	wrdreg $0xFFFFFFFF  }
0xc1: {  	_ =	task.clear_ibuf [dreg:s7], $0x2FFFF;
	_ =	strace $0x9FFFFFFF  }
0xc2: {  	(tm) =	ssettm $0x7FFFFFFF  }
0xc3: {  	_ =	shalt  }
tec
execute0_lowered:
.L_overlay_start_1:
0x0: {  	(tag) =	ssettag $0x1  }
0x1: {  	s5 =	rddreg [dreg:$0x0]  }
0x2: {  	s0 =	srdreg.scid;
	s2 =	rddreg [dreg:$0x1]  }
0x3: {  	s1 =	stileid.u32;
	s3 =	simm.s32 $0x0;
	s9 =	simm.s32 $0x1  }
0x4: {  	s10 =	simm.s32 $0x0;
	s14 =	simm.s32 $0x0;
	s6 =	sand.u32 $0x1, s0  }
0x5: {  	s0 =	rddreg [dreg:$0x2];
	s4 =	sshll.u32 s1, $0x3;
	s7 =	sshll.u32 s6, $0x2  }
0x6: {  	v0 =	vlaneseq.u32;
	[smem:$0x7FF] =	sst s3;
	s6 =	ssub.s32 $0x2, s6;
	s4 =	sor.u32 s7, s4  }
0x7: {  	v2 =	vimm.s32 $0x7C00;
	v1 =	vmul.u32 $0xFFFFFFF0, v0;
	v3 =	vor.u32 $0x10, v0;
	_ =	strace $0x80000047;
	s8 =	sshrl.u32 s6, $0x1;
	s7 =	sshll.u32 s4, $0x1  }
0x8: {  	v4 =	vor.u32 $0x20, v0;
	v5 =	vor.u32 $0x30, v0;
	v6 =	vor.u32 $0x40, v0;
	s6 =	ssub.s32 s6, s8;
	s8 =	simm.s32 $0xF830;
	s5 =	sadd.s32 s7, s5  }
0x9: {  	v7 =	vor.u32 $0x50, v0;
	v8 =	vor.u32 $0x60, v0;
	v9 =	vor.u32 $0x70, v0;
	s6 =	smax.u32 s6, $0x1;
	s7 =	simm.s32 $0x2;
	s5 =	sadd.s32 $0x1400, s5  }
.LBB2_1:
0xa: {  	[tilespmem:s3], [sflag:$0x2] =	stream.linear.gather [hbm4b:s5+s3], $0xF830, $0x38;
	[tilespmem:$0x1F030] =	vst v63  }
0xb: {  	_ =	swait.ge [sflag:s7], $0xF830  }
0xc: {  	[sflag:s7] =	ssyncset.done $0x0  }
0xd: {  	s11 =	simm.s32 $0x0;
	[sflag:s7] =	ssyncadd.s32 $0xFFFF07D0  }
.LBB2_2:
0xe: {  	s12 =	sadd.s32 s4, s11  }
0xf: {  	p0 =	seq.s32 s11, $0x0;
	s13 =	sshll.u32 s12, $0xF  }
0x10: {  	s15 =	simm.s32 $0x0;
	s12 =	sadd.s32 $0xF7F, s11;
	s13 =	sadd.s32 $0x7800000, s13  }
.LBB2_3:
0x11: {  	s16 =	sshll.u32 s15, $0x7  }
0x12: {  	s16 =	ssub.s32 s12, s16  }
0x13: {  	v10 =	vmov s16  }
0x14: {  	s17 =	sadd.s32 $0xFFFFFFFA, s15;
	v12 =	vadd.s32 s14, v0;
	v10 =	vshll.u32 v10, $0x4  }
0x15: {  	p1 =	sgt.u32 @!p0 s17, $0x9;
	v19 =	vand.u32 $0xF, v12;
	v10 =	vadd.s32 v1, v10  }
0x16: {  	v11 =	vand.u32 $0x8, v12;
	p1 =	por p1, p0;
	v13 =	vor.u32 v10, v19  }
0x17: {  	s18 =	sshll.u32 s15, $0xA;
	vm0 =	veq.s32 v11, $0x0;
	s17 =	simm.s32 @!p1 $0x1  }
0x18: {  	v12 =	vshll.u32 v12, $0x7;
	v11 =	vmov s18;
	s22 =	sadd.s32 $0xFFFFFFF0, s16;
	v14 =	vsel vm0, $0x0, v2;
	_ =	swait.ge @!p1 [sflag:s17], $0x8000  }
0x19: {  	v12 =	vand.u32 $0x380, v12;
	v15 =	vmov s22;
	v14 =	vadd.s32 v11, v14;
	[sflag:s17] =	ssyncset.done @!p1 $0x0  }
0x1a: {  	v15 =	vshll.u32 v15, $0x4;
	v20 =	vor.u32 v12, v14;
	[sflag:s17] =	ssyncadd.s32 @!p1 $0xFFFF8000  }
0x1b: {  	v12 =	vadd.s32 v1, v15;
	v14 =	vor.u32 v0, v20;
	v13 =	vld.idx.msk [tilespmem:v13+s3+$0x0], $0xffff  }
0x1c: {  	v15 =	vor.u32 v12, v19;
	_ =	sdelay $0x1  }
0x1d: {  	s23 =	sadd.s32 $0xFFFFFFE0, s16  }
0x1e: {  	v16 =	vmov s23  }
0x1f: {  	v16 =	vshll.u32 v16, $0x4;
	[tilespmem:v14+s8+$0x0] =	vst.idx.msk $0xffff, v13  }
0x20: {  	v13 =	vadd.s32 v1, v16;
	v14 =	vld.idx.msk [tilespmem:v15+s3+$0x0], $0xffff;
	v15 =	vor.u32 v3, v20  }
0x21: {  	v16 =	vor.u32 v13, v19;
	_ =	sdelay $0x1  }
0x22: {  	s24 =	sadd.s32 $0xFFFFFFD0, s16  }
0x23: {  	v17 =	vmov s24  }
0x24: {  	v17 =	vshll.u32 v17, $0x4;
	[tilespmem:v15+s8+$0x0] =	vst.idx.msk $0xffff, v14  }
0x25: {  	v14 =	vadd.s32 v1, v17;
	v15 =	vld.idx.msk [tilespmem:v16+s3+$0x0], $0xffff;
	v16 =	vor.u32 v4, v20  }
0x26: {  	v17 =	vor.u32 v14, v19;
	_ =	sdelay $0x1  }
0x27: {  	s25 =	sadd.s32 $0xFFFFFFC0, s16  }
0x28: {  	v18 =	vmov s25  }
0x29: {  	v18 =	vshll.u32 v18, $0x4;
	[tilespmem:v16+s8+$0x0] =	vst.idx.msk $0xffff, v15  }
0x2a: {  	v15 =	vadd.s32 v1, v18;
	v16 =	vld.idx.msk [tilespmem:v17+s3+$0x0], $0xffff;
	v17 =	vor.u32 v5, v20  }
0x2b: {  	v18 =	vor.u32 v15, v19;
	_ =	sdelay $0x1  }
0x2c: {  	s26 =	sadd.s32 $0xFFFFFFB0, s16  }
0x2d: {  	v21 =	vmov s26  }
0x2e: {  	v21 =	vshll.u32 v21, $0x4;
	[tilespmem:v17+s8+$0x0] =	vst.idx.msk $0xffff, v16  }
0x2f: {  	v16 =	vadd.s32 v1, v21;
	v17 =	vld.idx.msk [tilespmem:v18+s3+$0x0], $0xffff;
	v18 =	vor.u32 v6, v20  }
0x30: {  	v21 =	vor.u32 v16, v19;
	_ =	sdelay $0x1  }
0x31: {  	s28 =	sadd.s32 $0xFFFFFFA0, s16  }
0x32: {  	v22 =	vmov s28  }
0x33: {  	v22 =	vshll.u32 v22, $0x4;
	[tilespmem:v18+s8+$0x0] =	vst.idx.msk $0xffff, v17  }
0x34: {  	v17 =	vadd.s32 v1, v22;
	v18 =	vld.idx.msk [tilespmem:v21+s3+$0x0], $0xffff;
	v21 =	vor.u32 v7, v20  }
0x35: {  	v22 =	vor.u32 v17, v19;
	_ =	sdelay $0x1  }
0x36: {  	s16 =	sadd.s32 $0xFFFFFF90, s16  }
0x37: {  	v23 =	vmov s16  }
0x38: {  	v23 =	vshll.u32 v23, $0x4;
	[tilespmem:v21+s8+$0x0] =	vst.idx.msk $0xffff, v18  }
0x39: {  	v18 =	vadd.s32 v1, v23;
	v21 =	vld.idx.msk [tilespmem:v22+s3+$0x0], $0xffff;
	v22 =	vor.u32 v8, v20  }
0x3a: {  	v19 =	vor.u32 v18, v19;
	_ =	sdelay $0x2  }
0x3b: {  	s29 =	simm.s32 $0x1  }
0x3c: {  	[tilespmem:v22+s8+$0x0] =	vst.idx.msk $0xffff, v21;
	v21 =	vadd.s32 s29, v0  }
0x3d: {  	v20 =	vor.u32 v9, v20;
	v19 =	vld.idx.msk [tilespmem:v19+s3+$0x0], $0xffff;
	v22 =	vand.u32 $0xF, v21  }
0x3e: {  	v24 =	vand.u32 $0x8, v21;
	v23 =	vor.u32 v10, v22  }
0x3f: {  	vm13 =	veq.s32 v24, $0x0  }
0x40: {  	v21 =	vshll.u32 v21, $0x7;
	v24 =	vsel vm13, $0x0, v2  }
0x41: {  	v21 =	vand.u32 $0x380, v21;
	v24 =	vadd.s32 v11, v24  }
0x42: {  	[tilespmem:v20+s8+$0x0] =	vst.idx.msk $0xffff, v19;
	v19 =	vor.u32 v21, v24  }
0x43: {  	v20 =	vld.idx.msk [tilespmem:v23+s3+$0x0], $0xffff;
	v21 =	vor.u32 v0, v19  }
0x44: {  	v23 =	vor.u32 v12, v22;
	_ =	sdelay $0x3  }
0x45: {  	[tilespmem:v21+s8+$0x0] =	vst.idx.msk $0xffff, v20  }
0x46: {  	v21 =	vor.u32 v3, v19;
	v20 =	vld.idx.msk [tilespmem:v23+s3+$0x0], $0xffff  }
0x47: {  	v23 =	vor.u32 v13, v22;
	_ =	sdelay $0x3  }
0x48: {  	[tilespmem:v21+s8+$0x0] =	vst.idx.msk $0xffff, v20  }
0x49: {  	v21 =	vor.u32 v4, v19;
	v20 =	vld.idx.msk [tilespmem:v23+s3+$0x0], $0xffff  }
0x4a: {  	v23 =	vor.u32 v14, v22;
	_ =	sdelay $0x3  }
0x4b: {  	[tilespmem:v21+s8+$0x0] =	vst.idx.msk $0xffff, v20  }
0x4c: {  	v21 =	vor.u32 v5, v19;
	v20 =	vld.idx.msk [tilespmem:v23+s3+$0x0], $0xffff  }
0x4d: {  	v23 =	vor.u32 v15, v22;
	_ =	sdelay $0x3  }
0x4e: {  	[tilespmem:v21+s8+$0x0] =	vst.idx.msk $0xffff, v20  }
0x4f: {  	v21 =	vor.u32 v6, v19;
	v20 =	vld.idx.msk [tilespmem:v23+s3+$0x0], $0xffff  }
0x50: {  	v23 =	vor.u32 v16, v22;
	_ =	sdelay $0x3  }
0x51: {  	[tilespmem:v21+s8+$0x0] =	vst.idx.msk $0xffff, v20  }
0x52: {  	v21 =	vor.u32 v7, v19;
	v20 =	vld.idx.msk [tilespmem:v23+s3+$0x0], $0xffff  }
0x53: {  	v23 =	vor.u32 v17, v22;
	_ =	sdelay $0x3  }
0x54: {  	[tilespmem:v21+s8+$0x0] =	vst.idx.msk $0xffff, v20  }
0x55: {  	v21 =	vor.u32 v8, v19;
	v20 =	vld.idx.msk [tilespmem:v23+s3+$0x0], $0xffff  }
0x56: {  	v22 =	vor.u32 v18, v22;
	_ =	sdelay $0x2  }
0x57: {  	s30 =	simm.s32 $0x2  }
0x58: {  	[tilespmem:v21+s8+$0x0] =	vst.idx.msk $0xffff, v20;
	v20 =	vadd.s32 s30, v0  }
0x59: {  	v19 =	vor.u32 v9, v19;
	v21 =	vld.idx.msk [tilespmem:v22+s3+$0x0], $0xffff;
	v22 =	vand.u32 $0xF, v20  }
0x5a: {  	v62 =	vand.u32 $0x8, v20;
	v23 =	vor.u32 v10, v22  }
0x5b: {  	vm14 =	veq.s32 v62, $0x0  }
0x5c: {  	v20 =	vshll.u32 v20, $0x7;
	v24 =	vsel vm14, $0x0, v2  }
0x5d: {  	v20 =	vand.u32 $0x380, v20;
	v24 =	vadd.s32 v11, v24  }
0x5e: {  	[tilespmem:v19+s8+$0x0] =	vst.idx.msk $0xffff, v21;
	v19 =	vor.u32 v20, v24  }
0x5f: {  	v20 =	vld.idx.msk [tilespmem:v23+s3+$0x0], $0xffff;
	v21 =	vor.u32 v0, v19  }
0x60: {  	v23 =	vor.u32 v12, v22;
	_ =	sdelay $0x3  }
0x61: {  	[tilespmem:v21+s8+$0x0] =	vst.idx.msk $0xffff, v20  }
0x62: {  	v21 =	vor.u32 v3, v19;
	v20 =	vld.idx.msk [tilespmem:v23+s3+$0x0], $0xffff  }
0x63: {  	v23 =	vor.u32 v13, v22;
	_ =	sdelay $0x3  }
0x64: {  	[tilespmem:v21+s8+$0x0] =	vst.idx.msk $0xffff, v20  }
0x65: {  	v21 =	vor.u32 v4, v19;
	v20 =	vld.idx.msk [tilespmem:v23+s3+$0x0], $0xffff  }
0x66: {  	v23 =	vor.u32 v14, v22;
	_ =	sdelay $0x3  }
0x67: {  	[tilespmem:v21+s8+$0x0] =	vst.idx.msk $0xffff, v20  }
0x68: {  	v21 =	vor.u32 v5, v19;
	v20 =	vld.idx.msk [tilespmem:v23+s3+$0x0], $0xffff  }
0x69: {  	v23 =	vor.u32 v15, v22;
	_ =	sdelay $0x3  }
0x6a: {  	[tilespmem:v21+s8+$0x0] =	vst.idx.msk $0xffff, v20  }
0x6b: {  	v21 =	vor.u32 v6, v19;
	v20 =	vld.idx.msk [tilespmem:v23+s3+$0x0], $0xffff  }
0x6c: {  	v23 =	vor.u32 v16, v22;
	_ =	sdelay $0x3  }
0x6d: {  	[tilespmem:v21+s8+$0x0] =	vst.idx.msk $0xffff, v20  }
0x6e: {  	v21 =	vor.u32 v7, v19;
	v20 =	vld.idx.msk [tilespmem:v23+s3+$0x0], $0xffff  }
0x6f: {  	v23 =	vor.u32 v17, v22;
	_ =	sdelay $0x3  }
0x70: {  	[tilespmem:v21+s8+$0x0] =	vst.idx.msk $0xffff, v20  }
0x71: {  	v21 =	vor.u32 v8, v19;
	v20 =	vld.idx.msk [tilespmem:v23+s3+$0x0], $0xffff  }
0x72: {  	v22 =	vor.u32 v18, v22;
	_ =	sdelay $0x2  }
0x73: {  	s31 =	simm.s32 $0x3  }
0x74: {  	[tilespmem:v21+s8+$0x0] =	vst.idx.msk $0xffff, v20;
	v20 =	vadd.s32 s31, v0  }
0x75: {  	v19 =	vor.u32 v9, v19;
	v21 =	vld.idx.msk [tilespmem:v22+s3+$0x0], $0xffff;
	v22 =	vand.u32 $0xF, v20  }
0x76: {  	v63 =	vand.u32 $0x8, v20;
	v23 =	vor.u32 v10, v22  }
0x77: {  	vm15 =	veq.s32 v63, $0x0  }
0x78: {  	v20 =	vshll.u32 v20, $0x7;
	v24 =	vsel vm15, $0x0, v2  }
0x79: {  	v20 =	vand.u32 $0x380, v20;
	v24 =	vadd.s32 v11, v24  }
0x7a: {  	[tilespmem:v19+s8+$0x0] =	vst.idx.msk $0xffff, v21;
	v19 =	vor.u32 v20, v24  }
0x7b: {  	v20 =	vld.idx.msk [tilespmem:v23+s3+$0x0], $0xffff;
	v21 =	vor.u32 v0, v19  }
0x7c: {  	v23 =	vor.u32 v12, v22;
	_ =	sdelay $0x3  }
0x7d: {  	[tilespmem:v21+s8+$0x0] =	vst.idx.msk $0xffff, v20  }
0x7e: {  	v21 =	vor.u32 v3, v19;
	v20 =	vld.idx.msk [tilespmem:v23+s3+$0x0], $0xffff  }
0x7f: {  	v23 =	vor.u32 v13, v22;
	_ =	sdelay $0x3  }
0x80: {  	[tilespmem:v21+s8+$0x0] =	vst.idx.msk $0xffff, v20  }
0x81: {  	v21 =	vor.u32 v4, v19;
	v20 =	vld.idx.msk [tilespmem:v23+s3+$0x0], $0xffff  }
0x82: {  	v23 =	vor.u32 v14, v22;
	_ =	sdelay $0x3  }
0x83: {  	[tilespmem:v21+s8+$0x0] =	vst.idx.msk $0xffff, v20  }
0x84: {  	v21 =	vor.u32 v5, v19;
	v20 =	vld.idx.msk [tilespmem:v23+s3+$0x0], $0xffff  }
0x85: {  	v23 =	vor.u32 v15, v22;
	_ =	sdelay $0x3  }
0x86: {  	[tilespmem:v21+s8+$0x0] =	vst.idx.msk $0xffff, v20  }
0x87: {  	v21 =	vor.u32 v6, v19;
	v20 =	vld.idx.msk [tilespmem:v23+s3+$0x0], $0xffff  }
0x88: {  	v23 =	vor.u32 v16, v22;
	_ =	sdelay $0x3  }
0x89: {  	[tilespmem:v21+s8+$0x0] =	vst.idx.msk $0xffff, v20  }
0x8a: {  	v21 =	vor.u32 v7, v19;
	v20 =	vld.idx.msk [tilespmem:v23+s3+$0x0], $0xffff  }
0x8b: {  	v23 =	vor.u32 v17, v22;
	_ =	sdelay $0x3  }
0x8c: {  	[tilespmem:v21+s8+$0x0] =	vst.idx.msk $0xffff, v20  }
0x8d: {  	v21 =	vor.u32 v8, v19;
	v20 =	vld.idx.msk [tilespmem:v23+s3+$0x0], $0xffff  }
0x8e: {  	v22 =	vor.u32 v18, v22;
	_ =	sdelay $0x3  }
0x8f: {  	s16 =	simm.s32 $0x4;
	[tilespmem:v21+s8+$0x0] =	vst.idx.msk $0xffff, v20  }
0x90: {  	s17 =	simm.s32 $0x8;
	v21 =	vadd.s32 s16, v0;
	v20 =	vld.idx.msk [tilespmem:v22+s3+$0x0], $0xffff  }
.LBB2_4:
0x91: {  	p1 =	sne.s32 s17, $0xC;
	v22 =	vand.u32 $0xF, v21;
	v19 =	vor.u32 v9, v19  }
0x92: {  	v23 =	vor.u32 v10, v22  }
0x93: {  	v24 =	vand.u32 $0x8, v21  }
0x94: {  	vm0 =	veq.s32 v24, $0x0  }
0x95: {  	v21 =	vshll.u32 v21, $0x7;
	v24 =	vsel vm0, $0x0, v2  }
0x96: {  	v21 =	vand.u32 $0x380, v21;
	v24 =	vadd.s32 v11, v24;
	[tilespmem:v19+s8+$0x0] =	vst.idx.msk $0xffff, v20  }
0x97: {  	v20 =	vor.u32 v21, v24;
	v19 =	vld.idx.msk [tilespmem:v23+s3+$0x0], $0xffff  }
0x98: {  	v21 =	vor.u32 v0, v20  }
0x99: {  	v23 =	vor.u32 v12, v22;
	_ =	sdelay $0x3  }
0x9a: {  	[tilespmem:v21+s8+$0x0] =	vst.idx.msk $0xffff, v19  }
0x9b: {  	v19 =	vld.idx.msk [tilespmem:v23+s3+$0x0], $0xffff  }
0x9c: {  	v21 =	vor.u32 v3, v20  }
0x9d: {  	v23 =	vor.u32 v13, v22;
	_ =	sdelay $0x3  }
0x9e: {  	[tilespmem:v21+s8+$0x0] =	vst.idx.msk $0xffff, v19  }
0x9f: {  	v19 =	vld.idx.msk [tilespmem:v23+s3+$0x0], $0xffff  }
0xa0: {  	v21 =	vor.u32 v4, v20  }
0xa1: {  	v23 =	vor.u32 v14, v22;
	_ =	sdelay $0x3  }
0xa2: {  	[tilespmem:v21+s8+$0x0] =	vst.idx.msk $0xffff, v19  }
0xa3: {  	v19 =	vld.idx.msk [tilespmem:v23+s3+$0x0], $0xffff  }
0xa4: {  	v21 =	vor.u32 v5, v20  }
0xa5: {  	v23 =	vor.u32 v15, v22;
	_ =	sdelay $0x3  }
0xa6: {  	[tilespmem:v21+s8+$0x0] =	vst.idx.msk $0xffff, v19  }
0xa7: {  	v19 =	vld.idx.msk [tilespmem:v23+s3+$0x0], $0xffff  }
0xa8: {  	v21 =	vor.u32 v6, v20  }
0xa9: {  	v23 =	vor.u32 v16, v22;
	_ =	sdelay $0x3  }
0xaa: {  	[tilespmem:v21+s8+$0x0] =	vst.idx.msk $0xffff, v19  }
0xab: {  	v19 =	vld.idx.msk [tilespmem:v23+s3+$0x0], $0xffff  }
0xac: {  	v21 =	vor.u32 v7, v20  }
0xad: {  	v23 =	vor.u32 v17, v22;
	_ =	sdelay $0x3  }
0xae: {  	[tilespmem:v21+s8+$0x0] =	vst.idx.msk $0xffff, v19  }
0xaf: {  	v19 =	vld.idx.msk [tilespmem:v23+s3+$0x0], $0xffff  }
0xb0: {  	v21 =	vor.u32 v8, v20  }
0xb1: {  	v22 =	vor.u32 v18, v22;
	_ =	sdelay $0x3  }
0xb2: {  	s18 =	sadd.s32 $0x1, s16;
	[tilespmem:v21+s8+$0x0] =	vst.idx.msk $0xffff, v19  }
0xb3: {  	v21 =	vadd.s32 s18, v0;
	v19 =	vld.idx.msk [tilespmem:v22+s3+$0x0], $0xffff  }
0xb4: {  	v20 =	vor.u32 v9, v20;
	v22 =	vand.u32 $0xF, v21  }
0xb5: {  	v23 =	vor.u32 v10, v22  }
0xb6: {  	v24 =	vand.u32 $0x8, v21  }
0xb7: {  	vm0 =	veq.s32 v24, $0x0  }
0xb8: {  	v21 =	vshll.u32 v21, $0x7;
	v24 =	vsel vm0, $0x0, v2  }
0xb9: {  	[tilespmem:v20+s8+$0x0] =	vst.idx.msk $0xffff, v19;
	v19 =	vadd.s32 v11, v24;
	v20 =	vand.u32 $0x380, v21  }
0xba: {  	v21 =	vld.idx.msk [tilespmem:v23+s3+$0x0], $0xffff;
	v19 =	vor.u32 v20, v19  }
0xbb: {  	v20 =	vor.u32 v0, v19  }
0xbc: {  	v23 =	vor.u32 v12, v22;
	_ =	sdelay $0x3  }
0xbd: {  	[tilespmem:v20+s8+$0x0] =	vst.idx.msk $0xffff, v21  }
0xbe: {  	v20 =	vld.idx.msk [tilespmem:v23+s3+$0x0], $0xffff  }
0xbf: {  	v21 =	vor.u32 v3, v19  }
0xc0: {  	v23 =	vor.u32 v13, v22;
	_ =	sdelay $0x3  }
0xc1: {  	[tilespmem:v21+s8+$0x0] =	vst.idx.msk $0xffff, v20  }
0xc2: {  	v20 =	vld.idx.msk [tilespmem:v23+s3+$0x0], $0xffff  }
0xc3: {  	v21 =	vor.u32 v4, v19  }
0xc4: {  	v23 =	vor.u32 v14, v22;
	_ =	sdelay $0x3  }
0xc5: {  	[tilespmem:v21+s8+$0x0] =	vst.idx.msk $0xffff, v20  }
0xc6: {  	v20 =	vld.idx.msk [tilespmem:v23+s3+$0x0], $0xffff  }
0xc7: {  	v21 =	vor.u32 v5, v19  }
0xc8: {  	v23 =	vor.u32 v15, v22;
	_ =	sdelay $0x3  }
0xc9: {  	[tilespmem:v21+s8+$0x0] =	vst.idx.msk $0xffff, v20  }
0xca: {  	v20 =	vld.idx.msk [tilespmem:v23+s3+$0x0], $0xffff  }
0xcb: {  	v21 =	vor.u32 v6, v19  }
0xcc: {  	v23 =	vor.u32 v16, v22;
	_ =	sdelay $0x3  }
0xcd: {  	[tilespmem:v21+s8+$0x0] =	vst.idx.msk $0xffff, v20  }
0xce: {  	v20 =	vld.idx.msk [tilespmem:v23+s3+$0x0], $0xffff  }
0xcf: {  	v21 =	vor.u32 v7, v19  }
0xd0: {  	v23 =	vor.u32 v17, v22;
	_ =	sdelay $0x3  }
0xd1: {  	[tilespmem:v21+s8+$0x0] =	vst.idx.msk $0xffff, v20  }
0xd2: {  	v20 =	vld.idx.msk [tilespmem:v23+s3+$0x0], $0xffff  }
0xd3: {  	v21 =	vor.u32 v8, v19  }
0xd4: {  	v22 =	vor.u32 v18, v22;
	_ =	sdelay $0x3  }
0xd5: {  	s18 =	sadd.s32 $0x2, s16;
	[tilespmem:v21+s8+$0x0] =	vst.idx.msk $0xffff, v20  }
0xd6: {  	v21 =	vadd.s32 s18, v0;
	v20 =	vld.idx.msk [tilespmem:v22+s3+$0x0], $0xffff  }
0xd7: {  	v19 =	vor.u32 v9, v19;
	v22 =	vand.u32 $0xF, v21  }
0xd8: {  	v23 =	vor.u32 v10, v22  }
0xd9: {  	v24 =	vand.u32 $0x8, v21  }
0xda: {  	vm0 =	veq.s32 v24, $0x0  }
0xdb: {  	v21 =	vshll.u32 v21, $0x7;
	v24 =	vsel vm0, $0x0, v2  }
0xdc: {  	[tilespmem:v19+s8+$0x0] =	vst.idx.msk $0xffff, v20;
	v19 =	vadd.s32 v11, v24;
	v20 =	vand.u32 $0x380, v21  }
0xdd: {  	v21 =	vld.idx.msk [tilespmem:v23+s3+$0x0], $0xffff;
	v19 =	vor.u32 v20, v19  }
0xde: {  	v20 =	vor.u32 v0, v19  }
0xdf: {  	v23 =	vor.u32 v12, v22;
	_ =	sdelay $0x3  }
0xe0: {  	[tilespmem:v20+s8+$0x0] =	vst.idx.msk $0xffff, v21  }
0xe1: {  	v20 =	vld.idx.msk [tilespmem:v23+s3+$0x0], $0xffff  }
0xe2: {  	v21 =	vor.u32 v3, v19  }
0xe3: {  	v23 =	vor.u32 v13, v22;
	_ =	sdelay $0x3  }
0xe4: {  	[tilespmem:v21+s8+$0x0] =	vst.idx.msk $0xffff, v20  }
0xe5: {  	v20 =	vld.idx.msk [tilespmem:v23+s3+$0x0], $0xffff  }
0xe6: {  	v21 =	vor.u32 v4, v19  }
0xe7: {  	v23 =	vor.u32 v14, v22;
	_ =	sdelay $0x3  }
0xe8: {  	[tilespmem:v21+s8+$0x0] =	vst.idx.msk $0xffff, v20  }
0xe9: {  	v20 =	vld.idx.msk [tilespmem:v23+s3+$0x0], $0xffff  }
0xea: {  	v21 =	vor.u32 v5, v19  }
0xeb: {  	v23 =	vor.u32 v15, v22;
	_ =	sdelay $0x3  }
0xec: {  	[tilespmem:v21+s8+$0x0] =	vst.idx.msk $0xffff, v20  }
0xed: {  	v20 =	vld.idx.msk [tilespmem:v23+s3+$0x0], $0xffff  }
0xee: {  	v21 =	vor.u32 v6, v19  }
0xef: {  	v23 =	vor.u32 v16, v22;
	_ =	sdelay $0x3  }
0xf0: {  	[tilespmem:v21+s8+$0x0] =	vst.idx.msk $0xffff, v20  }
0xf1: {  	v20 =	vld.idx.msk [tilespmem:v23+s3+$0x0], $0xffff  }
0xf2: {  	v21 =	vor.u32 v7, v19  }
0xf3: {  	v23 =	vor.u32 v17, v22;
	_ =	sdelay $0x3  }
0xf4: {  	[tilespmem:v21+s8+$0x0] =	vst.idx.msk $0xffff, v20  }
0xf5: {  	v20 =	vld.idx.msk [tilespmem:v23+s3+$0x0], $0xffff  }
0xf6: {  	v21 =	vor.u32 v8, v19  }
0xf7: {  	v22 =	vor.u32 v18, v22;
	_ =	sdelay $0x3  }
0xf8: {  	s18 =	sadd.s32 $0x3, s16;
	s16 =	smov.u32 s17;
	[tilespmem:v21+s8+$0x0] =	vst.idx.msk $0xffff, v20  }
0xf9: {  	v21 =	vadd.s32 s18, v0;
	v20 =	vld.idx.msk [tilespmem:v22+s3+$0x0], $0xffff  }
0xfa: {  	v19 =	vor.u32 v9, v19;
	v22 =	vand.u32 $0xF, v21  }
0xfb: {  	v23 =	vor.u32 v10, v22  }
0xfc: {  	v24 =	vand.u32 $0x8, v21  }
0xfd: {  	vm0 =	veq.s32 v24, $0x0  }
0xfe: {  	v21 =	vshll.u32 v21, $0x7;
	v24 =	vsel vm0, $0x0, v2  }
0xff: {  	[tilespmem:v19+s8+$0x0] =	vst.idx.msk $0xffff, v20;
	v19 =	vadd.s32 v11, v24;
	v20 =	vand.u32 $0x380, v21  }
0x100: {  	v21 =	vld.idx.msk [tilespmem:v23+s3+$0x0], $0xffff;
	v19 =	vor.u32 v20, v19  }
0x101: {  	v20 =	vor.u32 v0, v19  }
0x102: {  	v23 =	vor.u32 v12, v22;
	_ =	sdelay $0x3  }
0x103: {  	[tilespmem:v20+s8+$0x0] =	vst.idx.msk $0xffff, v21  }
0x104: {  	v20 =	vld.idx.msk [tilespmem:v23+s3+$0x0], $0xffff  }
0x105: {  	v21 =	vor.u32 v3, v19  }
0x106: {  	v23 =	vor.u32 v13, v22;
	_ =	sdelay $0x3  }
0x107: {  	[tilespmem:v21+s8+$0x0] =	vst.idx.msk $0xffff, v20  }
0x108: {  	v20 =	vld.idx.msk [tilespmem:v23+s3+$0x0], $0xffff  }
0x109: {  	v21 =	vor.u32 v4, v19  }
0x10a: {  	v23 =	vor.u32 v14, v22;
	_ =	sdelay $0x3  }
0x10b: {  	[tilespmem:v21+s8+$0x0] =	vst.idx.msk $0xffff, v20  }
0x10c: {  	v20 =	vld.idx.msk [tilespmem:v23+s3+$0x0], $0xffff  }
0x10d: {  	v21 =	vor.u32 v5, v19  }
0x10e: {  	v23 =	vor.u32 v15, v22;
	_ =	sdelay $0x3  }
0x10f: {  	[tilespmem:v21+s8+$0x0] =	vst.idx.msk $0xffff, v20  }
0x110: {  	v20 =	vld.idx.msk [tilespmem:v23+s3+$0x0], $0xffff  }
0x111: {  	v21 =	vor.u32 v6, v19  }
0x112: {  	v23 =	vor.u32 v16, v22;
	_ =	sdelay $0x3  }
0x113: {  	[tilespmem:v21+s8+$0x0] =	vst.idx.msk $0xffff, v20  }
0x114: {  	v20 =	vld.idx.msk [tilespmem:v23+s3+$0x0], $0xffff  }
0x115: {  	v21 =	vor.u32 v7, v19  }
0x116: {  	v23 =	vor.u32 v17, v22;
	_ =	sdelay $0x3  }
0x117: {  	[tilespmem:v21+s8+$0x0] =	vst.idx.msk $0xffff, v20  }
0x118: {  	v20 =	vld.idx.msk [tilespmem:v23+s3+$0x0], $0xffff  }
0x119: {  	v21 =	vor.u32 v8, v19  }
0x11a: {  	v22 =	vor.u32 v18, v22  }
.Ltmp0:
0x11b: {  	(pc) =	sbr.rel @p1 .LBB2_4-.Ltmp0, $3  }
0x11c: {  	_ =	sdelay $0x1  }
0x11d: {  	[tilespmem:v21+s8+$0x0] =	vst.idx.msk $0xffff, v20  }
0x11e: {  	s17 =	sadd.s32 $0x4, s17;
	v21 =	vadd.s32 s16, v0;
	v20 =	vld.idx.msk [tilespmem:v22+s3+$0x0], $0xffff  }
0x11f: {  	v22 =	vand.u32 $0xF, v21;
	v19 =	vor.u32 v9, v19  }
0x120: {  	v24 =	vand.u32 $0x8, v21;
	v23 =	vor.u32 v10, v22  }
0x121: {  	vm0 =	veq.s32 v24, $0x0  }
0x122: {  	v35 =	vshll.u32 v21, $0x7;
	v24 =	vsel vm0, $0x0, v2  }
0x123: {  	v21 =	vand.u32 $0x380, v35;
	v24 =	vadd.s32 v11, v24  }
0x124: {  	v36 =	vor.u32 v21, v24;
	[tilespmem:v19+s8+$0x0] =	vst.idx.msk $0xffff, v20  }
0x125: {  	v21 =	vor.u32 v0, v36;
	v20 =	vld.idx.msk [tilespmem:v23+s3+$0x0], $0xffff  }
0x126: {  	v37 =	vor.u32 v12, v22;
	_ =	sdelay $0x3  }
0x127: {  	[tilespmem:v21+s8+$0x0] =	vst.idx.msk $0xffff, v20  }
0x128: {  	v38 =	vor.u32 v3, v36;
	v20 =	vld.idx.msk [tilespmem:v37+s3+$0x0], $0xffff  }
0x129: {  	v39 =	vor.u32 v13, v22;
	_ =	sdelay $0x3  }
0x12a: {  	[tilespmem:v38+s8+$0x0] =	vst.idx.msk $0xffff, v20  }
0x12b: {  	v40 =	vor.u32 v4, v36;
	v20 =	vld.idx.msk [tilespmem:v39+s3+$0x0], $0xffff  }
0x12c: {  	v41 =	vor.u32 v14, v22;
	_ =	sdelay $0x3  }
0x12d: {  	[tilespmem:v40+s8+$0x0] =	vst.idx.msk $0xffff, v20  }
0x12e: {  	v42 =	vor.u32 v5, v36;
	v20 =	vld.idx.msk [tilespmem:v41+s3+$0x0], $0xffff  }
0x12f: {  	v43 =	vor.u32 v15, v22;
	_ =	sdelay $0x3  }
0x130: {  	[tilespmem:v42+s8+$0x0] =	vst.idx.msk $0xffff, v20  }
0x131: {  	v44 =	vor.u32 v6, v36;
	v20 =	vld.idx.msk [tilespmem:v43+s3+$0x0], $0xffff  }
0x132: {  	v45 =	vor.u32 v16, v22;
	_ =	sdelay $0x3  }
0x133: {  	[tilespmem:v44+s8+$0x0] =	vst.idx.msk $0xffff, v20  }
0x134: {  	v46 =	vor.u32 v7, v36;
	v20 =	vld.idx.msk [tilespmem:v45+s3+$0x0], $0xffff  }
0x135: {  	v47 =	vor.u32 v17, v22;
	_ =	sdelay $0x3  }
0x136: {  	[tilespmem:v46+s8+$0x0] =	vst.idx.msk $0xffff, v20  }
0x137: {  	v48 =	vor.u32 v8, v36;
	v20 =	vld.idx.msk [tilespmem:v47+s3+$0x0], $0xffff  }
0x138: {  	v22 =	vor.u32 v18, v22;
	_ =	sdelay $0x2  }
0x139: {  	s17 =	sadd.s32 $0x1, s16  }
0x13a: {  	v49 =	vadd.s32 s17, v0;
	[tilespmem:v48+s8+$0x0] =	vst.idx.msk $0xffff, v20  }
0x13b: {  	v50 =	vand.u32 $0xF, v49;
	v19 =	vor.u32 v9, v36;
	v21 =	vld.idx.msk [tilespmem:v22+s3+$0x0], $0xffff  }
0x13c: {  	v52 =	vand.u32 $0x8, v49;
	v51 =	vor.u32 v10, v50  }
0x13d: {  	vm13 =	veq.s32 v52, $0x0  }
0x13e: {  	v24 =	vsel vm13, $0x0, v2;
	v20 =	vshll.u32 v49, $0x7  }
0x13f: {  	v24 =	vadd.s32 v11, v24;
	v20 =	vand.u32 $0x380, v20  }
0x140: {  	v53 =	vor.u32 v20, v24;
	[tilespmem:v19+s8+$0x0] =	vst.idx.msk $0xffff, v21  }
0x141: {  	v55 =	vor.u32 v0, v53;
	v54 =	vld.idx.msk [tilespmem:v51+s3+$0x0], $0xffff  }
0x142: {  	v56 =	vor.u32 v12, v50;
	_ =	sdelay $0x3  }
0x143: {  	[tilespmem:v55+s8+$0x0] =	vst.idx.msk $0xffff, v54  }
0x144: {  	v57 =	vor.u32 v3, v53;
	v20 =	vld.idx.msk [tilespmem:v56+s3+$0x0], $0xffff  }
0x145: {  	v58 =	vor.u32 v13, v50;
	_ =	sdelay $0x3  }
0x146: {  	[tilespmem:v57+s8+$0x0] =	vst.idx.msk $0xffff, v20  }
0x147: {  	v59 =	vor.u32 v4, v53;
	v20 =	vld.idx.msk [tilespmem:v58+s3+$0x0], $0xffff  }
0x148: {  	v60 =	vor.u32 v14, v50;
	_ =	sdelay $0x3  }
0x149: {  	[tilespmem:v59+s8+$0x0] =	vst.idx.msk $0xffff, v20  }
0x14a: {  	v61 =	vor.u32 v5, v53;
	v20 =	vld.idx.msk [tilespmem:v60+s3+$0x0], $0xffff  }
0x14b: {  	v62 =	vor.u32 v15, v50;
	_ =	sdelay $0x3  }
0x14c: {  	[tilespmem:v61+s8+$0x0] =	vst.idx.msk $0xffff, v20  }
0x14d: {  	v63 =	vor.u32 v6, v53;
	v20 =	vld.idx.msk [tilespmem:v62+s3+$0x0], $0xffff  }
0x14e: {  	v24 =	vor.u32 v16, v50;
	_ =	sdelay $0x3  }
0x14f: {  	[tilespmem:v63+s8+$0x0] =	vst.idx.msk $0xffff, v20  }
0x150: {  	v25 =	vor.u32 v7, v53;
	v20 =	vld.idx.msk [tilespmem:v24+s3+$0x0], $0xffff  }
0x151: {  	v26 =	vor.u32 v17, v50;
	_ =	sdelay $0x3  }
0x152: {  	[tilespmem:v25+s8+$0x0] =	vst.idx.msk $0xffff, v20  }
0x153: {  	v27 =	vor.u32 v8, v53;
	v20 =	vld.idx.msk [tilespmem:v26+s3+$0x0], $0xffff  }
0x154: {  	v22 =	vor.u32 v18, v50;
	_ =	sdelay $0x2  }
0x155: {  	s30 =	sadd.s32 $0x2, s16  }
0x156: {  	v28 =	vadd.s32 s30, v0;
	[tilespmem:v27+s8+$0x0] =	vst.idx.msk $0xffff, v20  }
0x157: {  	v29 =	vand.u32 $0xF, v28;
	v19 =	vor.u32 v9, v53;
	v21 =	vld.idx.msk [tilespmem:v22+s3+$0x0], $0xffff  }
0x158: {  	v31 =	vand.u32 $0x8, v28;
	v30 =	vor.u32 v10, v29  }
0x159: {  	vm14 =	veq.s32 v31, $0x0  }
0x15a: {  	v24 =	vsel vm14, $0x0, v2;
	v20 =	vshll.u32 v28, $0x7  }
0x15b: {  	v24 =	vadd.s32 v11, v24;
	v20 =	vand.u32 $0x380, v20  }
0x15c: {  	v32 =	vor.u32 v20, v24;
	[tilespmem:v19+s8+$0x0] =	vst.idx.msk $0xffff, v21  }
0x15d: {  	v34 =	vor.u32 v0, v32;
	v33 =	vld.idx.msk [tilespmem:v30+s3+$0x0], $0xffff  }
0x15e: {  	v35 =	vor.u32 v12, v29;
	_ =	sdelay $0x3  }
0x15f: {  	[tilespmem:v34+s8+$0x0] =	vst.idx.msk $0xffff, v33  }
0x160: {  	v36 =	vor.u32 v3, v32;
	v20 =	vld.idx.msk [tilespmem:v35+s3+$0x0], $0xffff  }
0x161: {  	v37 =	vor.u32 v13, v29;
	_ =	sdelay $0x3  }
0x162: {  	[tilespmem:v36+s8+$0x0] =	vst.idx.msk $0xffff, v20  }
0x163: {  	v38 =	vor.u32 v4, v32;
	v20 =	vld.idx.msk [tilespmem:v37+s3+$0x0], $0xffff  }
0x164: {  	v39 =	vor.u32 v14, v29;
	_ =	sdelay $0x3  }
0x165: {  	[tilespmem:v38+s8+$0x0] =	vst.idx.msk $0xffff, v20  }
0x166: {  	v40 =	vor.u32 v5, v32;
	v20 =	vld.idx.msk [tilespmem:v39+s3+$0x0], $0xffff  }
0x167: {  	v41 =	vor.u32 v15, v29;
	_ =	sdelay $0x3  }
0x168: {  	[tilespmem:v40+s8+$0x0] =	vst.idx.msk $0xffff, v20  }
0x169: {  	v42 =	vor.u32 v6, v32;
	v20 =	vld.idx.msk [tilespmem:v41+s3+$0x0], $0xffff  }
0x16a: {  	v43 =	vor.u32 v16, v29;
	_ =	sdelay $0x3  }
0x16b: {  	[tilespmem:v42+s8+$0x0] =	vst.idx.msk $0xffff, v20  }
0x16c: {  	v44 =	vor.u32 v7, v32;
	v20 =	vld.idx.msk [tilespmem:v43+s3+$0x0], $0xffff  }
0x16d: {  	v45 =	vor.u32 v17, v29;
	_ =	sdelay $0x3  }
0x16e: {  	[tilespmem:v44+s8+$0x0] =	vst.idx.msk $0xffff, v20  }
0x16f: {  	v46 =	vor.u32 v8, v32;
	v20 =	vld.idx.msk [tilespmem:v45+s3+$0x0], $0xffff  }
0x170: {  	v22 =	vor.u32 v18, v29;
	_ =	sdelay $0x2  }
0x171: {  	s31 =	sadd.s32 $0x3, s16  }
0x172: {  	v47 =	vadd.s32 s31, v0;
	[tilespmem:v46+s8+$0x0] =	vst.idx.msk $0xffff, v20  }
0x173: {  	v48 =	vand.u32 $0xF, v47;
	v19 =	vor.u32 v9, v32;
	v21 =	vld.idx.msk [tilespmem:v22+s3+$0x0], $0xffff  }
0x174: {  	v49 =	vand.u32 $0x8, v47;
	v10 =	vor.u32 v10, v48  }
0x175: {  	vm15 =	veq.s32 v49, $0x0  }
0x176: {  	v23 =	vsel vm15, $0x0, v2;
	v20 =	vshll.u32 v47, $0x7  }
0x177: {  	v11 =	vadd.s32 v11, v23;
	v20 =	vand.u32 $0x380, v20  }
0x178: {  	v11 =	vor.u32 v20, v11;
	[tilespmem:v19+s8+$0x0] =	vst.idx.msk $0xffff, v21  }
0x179: {  	v50 =	vor.u32 v0, v11;
	v10 =	vld.idx.msk [tilespmem:v10+s3+$0x0], $0xffff  }
0x17a: {  	v51 =	vor.u32 v12, v48;
	_ =	sdelay $0x3  }
0x17b: {  	[tilespmem:v50+s8+$0x0] =	vst.idx.msk $0xffff, v10  }
0x17c: {  	v52 =	vor.u32 v3, v11;
	v10 =	vld.idx.msk [tilespmem:v51+s3+$0x0], $0xffff  }
0x17d: {  	v53 =	vor.u32 v13, v48;
	_ =	sdelay $0x3  }
0x17e: {  	[tilespmem:v52+s8+$0x0] =	vst.idx.msk $0xffff, v10  }
0x17f: {  	v54 =	vor.u32 v4, v11;
	v10 =	vld.idx.msk [tilespmem:v53+s3+$0x0], $0xffff  }
0x180: {  	v55 =	vor.u32 v14, v48;
	_ =	sdelay $0x3  }
0x181: {  	[tilespmem:v54+s8+$0x0] =	vst.idx.msk $0xffff, v10  }
0x182: {  	v56 =	vor.u32 v5, v11;
	v10 =	vld.idx.msk [tilespmem:v55+s3+$0x0], $0xffff  }
0x183: {  	v57 =	vor.u32 v15, v48;
	_ =	sdelay $0x3  }
0x184: {  	[tilespmem:v56+s8+$0x0] =	vst.idx.msk $0xffff, v10  }
0x185: {  	v58 =	vor.u32 v6, v11;
	v10 =	vld.idx.msk [tilespmem:v57+s3+$0x0], $0xffff  }
0x186: {  	v59 =	vor.u32 v16, v48;
	_ =	sdelay $0x3  }
0x187: {  	[tilespmem:v58+s8+$0x0] =	vst.idx.msk $0xffff, v10  }
0x188: {  	v60 =	vor.u32 v7, v11;
	v10 =	vld.idx.msk [tilespmem:v59+s3+$0x0], $0xffff  }
0x189: {  	v61 =	vor.u32 v17, v48;
	_ =	sdelay $0x3  }
0x18a: {  	[tilespmem:v60+s8+$0x0] =	vst.idx.msk $0xffff, v10  }
0x18b: {  	v62 =	vor.u32 v8, v11;
	v10 =	vld.idx.msk [tilespmem:v61+s3+$0x0], $0xffff  }
0x18c: {  	v63 =	vor.u32 v18, v48;
	_ =	sdelay $0x3  }
0x18d: {  	[tilespmem:v62+s8+$0x0] =	vst.idx.msk $0xffff, v10  }
0x18e: {  	v11 =	vor.u32 v9, v11;
	v10 =	vld.idx.msk [tilespmem:v63+s3+$0x0], $0xffff  }
0x18f: {  	p1 =	slt.u32 s15, $0xF  }
0x190: {  	s16 =	sshll.u32 @!p1 s15, $0x16  }
0x191: {  	s17 =	sshll.u32 @!p1 s15, $0xA;
	s16 =	ssub.s32 @!p1 s13, s16  }
0x192: {  	s19 =	simm.s32 @!p1 $0x0;
	s17 =	sand.u32 @!p1 $0x3FFFFC00, s17;
	s16 =	sshrl.u32 @!p1 s16, $0x3  }
0x193: {  	p2 =	slt.u32 @!p1 s15, $0x19;
	s18 =	sadd.s32 @!p1 $0xBC30, s17;
	s16 =	sadd.s32 @!p1 s2, s16;
	[tilespmem:v11+s8+$0x0] =	vst.idx.msk $0xffff, v10  }
0x194: {  	[hbm4b:s16+s19] =	stream.linear.scatter @!p1 [tilespmem:s18], [sflag:$0x1], $0x4000, $0x38;
	[tilespmem:$0x1F030] =	vst v63  }
0x195: {  	s15 =	sadd.s32 $0x1, s15;
	s17 =	sadd.s32 @!p1 $0x13830, s17;
	s16 =	sadd.s32 @!p1 $0x800, s16  }
0x196: {  	[hbm4b:s16+s19] =	stream.linear.scatter @!p1 [tilespmem:s17], [sflag:$0x1], $0x4000, $0x38;
	[tilespmem:$0x1F030] =	vst v63  }
0x197: {  	p1 =	por p2, p1;
	p2 =	sne.s32 s15, $0x1F  }
.Ltmp1:
0x198: {  	_ = 	snop;
	(pc) =	sbr.rel @p2 .LBB2_3-.Ltmp1, $4  }
0x199: {  	s16 =	simm.s32 @!p1 $0x1  }
0x19a: {  	_ =	swait.ge @!p1 [sflag:s16], $0x8000  }
0x19b: {  	[sflag:s16] =	ssyncset.done @!p1 $0x0  }
0x19c: {  	[sflag:s16] =	ssyncadd.s32 @!p1 $0xFFFF8000  }
0x19d: {  	s11 =	sadd.s32 $0x1, s11  }
0x19e: {  	p0 =	sne.s32 s11, $0x4  }
.Ltmp2:
0x19f: {  	_ = 	snop;
	(pc) =	sbr.rel @p0 .LBB2_2-.Ltmp2, $1  }
0x1a0: {  	_ =	sdelay $0x3  }
0x1a1: {  	_ =	swait.ge [sflag:s9], $0x8000  }
0x1a2: {  	[sflag:s9] =	ssyncset.done $0x0  }
0x1a3: {  	[sflag:s9] =	ssyncadd.s32 $0xFFFF8000  }
0x1a4: {  	_ =	swait.ge [sflag:s9], $0x8000  }
0x1a5: {  	[sflag:s9] =	ssyncset.done $0x0  }
0x1a6: {  	[sflag:s9] =	ssyncadd.s32 $0xFFFF8000  }
0x1a7: {  	_ =	swait.ge [sflag:s9], $0x8000  }
0x1a8: {  	[sflag:s9] =	ssyncset.done $0x0  }
0x1a9: {  	[sflag:s9] =	ssyncadd.s32 $0xFFFF8000  }
0x1aa: {  	_ =	swait.ge [sflag:s9], $0x8000  }
0x1ab: {  	[sflag:s9] =	ssyncset.done $0x0  }
0x1ac: {  	[sflag:s9] =	ssyncadd.s32 $0xFFFF8000  }
0x1ad: {  	_ =	swait.ge [sflag:s9], $0x8000  }
0x1ae: {  	[sflag:s9] =	ssyncset.done $0x0  }
0x1af: {  	[sflag:s9] =	ssyncadd.s32 $0xFFFF8000  }
0x1b0: {  	_ =	swait.ge [sflag:s9], $0x8000  }
0x1b1: {  	[sflag:s9] =	ssyncset.done $0x0  }
0x1b2: {  	[sflag:s9] =	ssyncadd.s32 $0xFFFF8000  }
0x1b3: {  	_ =	swait.ge [sflag:s9], $0x8000  }
0x1b4: {  	[sflag:s9] =	ssyncset.done $0x0  }
0x1b5: {  	[sflag:s9] =	ssyncadd.s32 $0xFFFF8000  }
0x1b6: {  	_ =	swait.ge [sflag:s9], $0x8000  }
0x1b7: {  	[sflag:s9] =	ssyncset.done $0x0  }
0x1b8: {  	s10 =	sadd.s32 $0x1, s10;
	[sflag:s9] =	ssyncadd.s32 $0xFFFF8000  }
0x1b9: {  	p0 =	sne.s32 s10, s6;
	_ =	swait.ge [sflag:s9], $0x8000  }
.Ltmp3:
0x1ba: {  	[sflag:s9] =	ssyncset.done $0x0;
	(pc) =	sbr.rel @p0 .LBB2_1-.Ltmp3, $4  }
0x1bb: {  	[sflag:s9] =	ssyncadd.s32 $0xFFFF8000  }
0x1bc: {  	_ =	swait.ge [sflag:s9], $0x8000  }
0x1bd: {  	[sflag:s9] =	ssyncset.done $0x0  }
0x1be: {  	[sflag:s9] =	ssyncadd.s32 $0xFFFF8000  }
0x1bf: {  	_ =	sfence.sel $0x180000  }
0x1c0: {  	[bflag:$0x0] =	sbarrier.arrive $0xFFFF  }
0x1c1: {  	p0 =	sne.s32 s1, $0x0;
	_ =	strace $0x90000047  }
0x1c2: {  	s0 =	sadd.s32 @!p0 $0x100000, s0;
	[bflag:$0x2] =	sbarrier.arrive $0xFFFF  }
0x1c3: {  	[sflag:s0] =	ssyncadd.tile.s32 @!p0 $0x1;
	_ =	shalt  }
.Lfunc_end2:
_tile_overlayer_lowered:
.L_overlay_start_2:
0x1c4: {  	(tag) =	ssettag $0x2  }
0x1c5: {  	s0 =	rddreg [dreg:$0x0];
	s2 =	stileid.u32  }
0x1c6: {  	s1 =	rddreg [dreg:$0x1];
	p0 =	sne.s32 s2, $0x0  }
0x1c7: {  	s3 =	rddreg [dreg:$0x2];
	[bflag:$0x3] =	sbarrier.arrive $0xFFFF;
	s2 =	simm.s32 @!p0 $0x1C02  }
0x1c8: {  	[timem:s3], [sflag:s2] =	dma.local @!p0 [hbm:s0], s1  }
0x1c9: {  	s0 =	simm.s32 @!p0 $0x2  }
0x1ca: {  	_ =	swait.ge @!p0 [sflag:s0], s1  }
0x1cb: {  	s1 =	ssub.s32 @!p0 $0x0, s1;
	[sflag:s0] =	ssyncset.done @!p0 $0x0  }
0x1cc: {  	[sflag:s0] =	ssyncadd.s32 @!p0 s1  }
0x1cd: {  	[bflag:$0x3] =	sbarrier.arrive $0xFFFF  }
0x1ce: {  	_ =	shalt  }

</sc_bundles>
